<compile_context>
chip_gen: v7x
topology: tpu7x:2x2x1
jax: 0.10.2.dev20260603
libtpu: 0.0.44.dev20260713+nightly
codegen_flags: <defaults>
</compile_context>

<pallas_src>
import functools

import jax
import jax.numpy as jnp
from jax import lax
from jax.experimental import pallas as pl
from jax.experimental.pallas import tpu as pltpu
from jax.experimental.pallas import tpu_sc as plsc

DIM = 1024
BATCH = 32
ROWS_PER_WORKER = 8
NUM_WORKERS = BATCH // ROWS_PER_WORKER
DBLK = 32


def _sc_gather(t, table):
    mesh = plsc.ScalarSubcoreMesh(axis_name="c", num_cores=1)

    @functools.partial(
        pl.kernel,
        mesh=mesh,
        out_type=jax.ShapeDtypeStruct((BATCH, DIM), jnp.float32),
        scratch_types=[
            pltpu.SMEM((BATCH,), jnp.int32),
            pltpu.SemaphoreType.DMA,
        ],
    )
    def gather_kernel(t_hbm, table_hbm, out_hbm, t_smem, sem):
        pltpu.sync_copy(t_hbm, t_smem)
        copies = []
        for i in range(BATCH):
            copies.append(
                pltpu.async_copy(
                    table_hbm.at[pl.ds(t_smem[i], 1)],
                    out_hbm.at[pl.ds(i, 1)],
                    sem,
                )
            )
        for c in copies:
            c.wait()

    return gather_kernel(t, table)


def _tc_broadcast_add(rows, pos):
    def body(rows_ref, pos_ref, out_ref):
        out_ref[...] = (
            rows_ref[...][None, None, :, :] + pos_ref[...][None, :, :, None]
        )

    return pl.pallas_call(
        body,
        grid=(DIM // DBLK,),
        in_specs=[
            pl.BlockSpec((BATCH, DIM), lambda i: (0, 0)),
            pl.BlockSpec((DBLK, 1), lambda i: (i, 0)),
        ],
        out_specs=pl.BlockSpec((1, DBLK, BATCH, DIM), lambda i: (0, i, 0, 0)),
        out_shape=jax.ShapeDtypeStruct((1, DIM, BATCH, DIM), jnp.float32),
    )(rows, pos)


def kernel(t, table, pos_emb):
    t = t.astype(jnp.int32)
    rows = _sc_gather(t, table)
    pos = pos_emb.reshape(DIM, 1)
    return _tc_broadcast_add(rows, pos)

# --- scband reference (transcript-rebuilt; emitter-appended) ---
"""Pipeline reference for scband-time-pos-emb-32040456028256 (READ-ONLY COPY).

The authoritative reference and input builder live on the scoring server;
editing this copy changes nothing except your own understanding.
"""

import jax, jax.numpy as jnp
import numpy as np

DIM = 1024
BATCH = 32


def setup_inputs(seed: int = 0) -> dict:
    key = jax.random.key(seed)
    k1, k2, k3 = jax.random.split(key, 3)
    t = jax.random.randint(k1, (BATCH,), 0, DIM)
    # nn.Embedding(dim, dim) default init: N(0, 1)
    table = jax.random.normal(k2, (DIM, DIM), dtype=jnp.float32)
    # nn.Parameter(torch.randn(1, dim, 1, 1))
    pos_emb = jax.random.normal(k3, (1, DIM, 1, 1), dtype=jnp.float32)
    return {"t": t, "table": table, "pos_emb": pos_emb}


def reference(t, table, pos_emb):
    # t = t.long(); time_emb = self.time_emb(t)  -> gather rows: [B, dim]
    time_emb = jnp.take(table, t, axis=0)
    # time_emb [B, dim] + pos_emb [1, dim, 1, 1] broadcasts to [1, dim, B, dim]
    return time_emb + pos_emb

if __name__ == "__main__":
    import jax
    _d = setup_inputs()
    print(jax.jit(kernel)(*tuple(_d.values())))

</pallas_src>

<mosaic_0001>
#map = affine_map<(d0) -> (0)>
#map1 = affine_map<(d0) -> (0, 0)>
module attributes {stable_mosaic.version = 14 : i64} {
  func.func @gather_kernel(%arg0: i32, %arg1: memref<32xi32, #tpu.memory_space<hbm>>, %arg2: memref<1024x1024xf32, #tpu.memory_space<hbm>>, %arg3: memref<32x1024xf32, #tpu.memory_space<hbm>>, %arg4: memref<32xi32, #tpu.memory_space<smem>>, %arg5: memref<!tpu.dma_semaphore, #tpu.memory_space<semaphore_mem>>) attributes {dimension_semantics = [#tpu.dimension_semantics<core_parallel>], iteration_bounds = array<i64: 1>, scalar_prefetch = 0 : i64, scratch_operands = 2 : i64, tpu.core_type = #tpu.core_type<sc_scalar_subcore>, window_params = [{transform_indices = #map}, {transform_indices = #map1}, {transform_indices = #map1}]} {
    "tpu.region"() ({
      %run_scoped3A = tpu.sem_alloc : memref<!tpu.dma_semaphore, #tpu.memory_space<semaphore_mem>>
      tpu.enqueue_dma source(%arg1 : memref<32xi32, #tpu.memory_space<hbm>>) target(%arg4 : memref<32xi32, #tpu.memory_space<smem>>) target_semaphore(%run_scoped3A : memref<!tpu.dma_semaphore, #tpu.memory_space<semaphore_mem>>)
      tpu.wait_dma2 semaphore(%run_scoped3A : memref<!tpu.dma_semaphore, #tpu.memory_space<semaphore_mem>>) src(%arg1 : memref<32xi32, #tpu.memory_space<hbm>>) dst(%arg4 : memref<32xi32, #tpu.memory_space<smem>>)
      tpu.yield
    }) : () -> ()
    %get3A = arith.constant 0 : i32
    %get3A_0 = arith.index_cast %get3A : i32 to index
    %get3A_1 = memref.load %arg4[%get3A_0] : memref<32xi32, #tpu.memory_space<smem>>
    %dma_start3A = arith.constant 0 : i32
    %dma_start3A_2 = arith.constant 0 : i32
    %dma_start3A_3 = tpu.memref_slice %arg3[%dma_start3A, %dma_start3A_2] : memref<32x1024xf32, #tpu.memory_space<hbm>> -> memref<1x1024xf32, #tpu.memory_space<hbm>>
    %dma_start3A_4 = arith.constant 0 : i32
    %dma_start3A_5 = tpu.memref_slice %arg2[%get3A_1, %dma_start3A_4] : memref<1024x1024xf32, #tpu.memory_space<hbm>> -> memref<1x1024xf32, #tpu.memory_space<hbm>>
    tpu.enqueue_dma source(%dma_start3A_5 : memref<1x1024xf32, #tpu.memory_space<hbm>>) target(%dma_start3A_3 : memref<1x1024xf32, #tpu.memory_space<hbm>>) target_semaphore(%arg5 : memref<!tpu.dma_semaphore, #tpu.memory_space<semaphore_mem>>)
    %get3A_6 = arith.constant 1 : i32
    %get3A_7 = arith.index_cast %get3A_6 : i32 to index
    %get3A_8 = memref.load %arg4[%get3A_7] : memref<32xi32, #tpu.memory_space<smem>>
    %dma_start3A_9 = arith.constant 1 : i32
    %dma_start3A_10 = arith.constant 0 : i32
    %dma_start3A_11 = tpu.memref_slice %arg3[%dma_start3A_9, %dma_start3A_10] : memref<32x1024xf32, #tpu.memory_space<hbm>> -> memref<1x1024xf32, #tpu.memory_space<hbm>>
    %dma_start3A_12 = arith.constant 0 : i32
    %dma_start3A_13 = tpu.memref_slice %arg2[%get3A_8, %dma_start3A_12] : memref<1024x1024xf32, #tpu.memory_space<hbm>> -> memref<1x1024xf32, #tpu.memory_space<hbm>>
    tpu.enqueue_dma source(%dma_start3A_13 : memref<1x1024xf32, #tpu.memory_space<hbm>>) target(%dma_start3A_11 : memref<1x1024xf32, #tpu.memory_space<hbm>>) target_semaphore(%arg5 : memref<!tpu.dma_semaphore, #tpu.memory_space<semaphore_mem>>)
    %get3A_14 = arith.constant 2 : i32
    %get3A_15 = arith.index_cast %get3A_14 : i32 to index
    %get3A_16 = memref.load %arg4[%get3A_15] : memref<32xi32, #tpu.memory_space<smem>>
    %dma_start3A_17 = arith.constant 2 : i32
    %dma_start3A_18 = arith.constant 0 : i32
    %dma_start3A_19 = tpu.memref_slice %arg3[%dma_start3A_17, %dma_start3A_18] : memref<32x1024xf32, #tpu.memory_space<hbm>> -> memref<1x1024xf32, #tpu.memory_space<hbm>>
    %dma_start3A_20 = arith.constant 0 : i32
    %dma_start3A_21 = tpu.memref_slice %arg2[%get3A_16, %dma_start3A_20] : memref<1024x1024xf32, #tpu.memory_space<hbm>> -> memref<1x1024xf32, #tpu.memory_space<hbm>>
    tpu.enqueue_dma source(%dma_start3A_21 : memref<1x1024xf32, #tpu.memory_space<hbm>>) target(%dma_start3A_19 : memref<1x1024xf32, #tpu.memory_space<hbm>>) target_semaphore(%arg5 : memref<!tpu.dma_semaphore, #tpu.memory_space<semaphore_mem>>)
    %get3A_22 = arith.constant 3 : i32
    %get3A_23 = arith.index_cast %get3A_22 : i32 to index
    %get3A_24 = memref.load %arg4[%get3A_23] : memref<32xi32, #tpu.memory_space<smem>>
    %dma_start3A_25 = arith.constant 3 : i32
    %dma_start3A_26 = arith.constant 0 : i32
    %dma_start3A_27 = tpu.memref_slice %arg3[%dma_start3A_25, %dma_start3A_26] : memref<32x1024xf32, #tpu.memory_space<hbm>> -> memref<1x1024xf32, #tpu.memory_space<hbm>>
    %dma_start3A_28 = arith.constant 0 : i32
    %dma_start3A_29 = tpu.memref_slice %arg2[%get3A_24, %dma_start3A_28] : memref<1024x1024xf32, #tpu.memory_space<hbm>> -> memref<1x1024xf32, #tpu.memory_space<hbm>>
    tpu.enqueue_dma source(%dma_start3A_29 : memref<1x1024xf32, #tpu.memory_space<hbm>>) target(%dma_start3A_27 : memref<1x1024xf32, #tpu.memory_space<hbm>>) target_semaphore(%arg5 : memref<!tpu.dma_semaphore, #tpu.memory_space<semaphore_mem>>)
    %get3A_30 = arith.constant 4 : i32
    %get3A_31 = arith.index_cast %get3A_30 : i32 to index
    %get3A_32 = memref.load %arg4[%get3A_31] : memref<32xi32, #tpu.memory_space<smem>>
    %dma_start3A_33 = arith.constant 4 : i32
    %dma_start3A_34 = arith.constant 0 : i32
    %dma_start3A_35 = tpu.memref_slice %arg3[%dma_start3A_33, %dma_start3A_34] : memref<32x1024xf32, #tpu.memory_space<hbm>> -> memref<1x1024xf32, #tpu.memory_space<hbm>>
    %dma_start3A_36 = arith.constant 0 : i32
    %dma_start3A_37 = tpu.memref_slice %arg2[%get3A_32, %dma_start3A_36] : memref<1024x1024xf32, #tpu.memory_space<hbm>> -> memref<1x1024xf32, #tpu.memory_space<hbm>>
    tpu.enqueue_dma source(%dma_start3A_37 : memref<1x1024xf32, #tpu.memory_space<hbm>>) target(%dma_start3A_35 : memref<1x1024xf32, #tpu.memory_space<hbm>>) target_semaphore(%arg5 : memref<!tpu.dma_semaphore, #tpu.memory_space<semaphore_mem>>)
    %get3A_38 = arith.constant 5 : i32
    %get3A_39 = arith.index_cast %get3A_38 : i32 to index
    %get3A_40 = memref.load %arg4[%get3A_39] : memref<32xi32, #tpu.memory_space<smem>>
    %dma_start3A_41 = arith.constant 5 : i32
    %dma_start3A_42 = arith.constant 0 : i32
    %dma_start3A_43 = tpu.memref_slice %arg3[%dma_start3A_41, %dma_start3A_42] : memref<32x1024xf32, #tpu.memory_space<hbm>> -> memref<1x1024xf32, #tpu.memory_space<hbm>>
    %dma_start3A_44 = arith.constant 0 : i32
    %dma_start3A_45 = tpu.memref_slice %arg2[%get3A_40, %dma_start3A_44] : memref<1024x1024xf32, #tpu.memory_space<hbm>> -> memref<1x1024xf32, #tpu.memory_space<hbm>>
    tpu.enqueue_dma source(%dma_start3A_45 : memref<1x1024xf32, #tpu.memory_space<hbm>>) target(%dma_start3A_43 : memref<1x1024xf32, #tpu.memory_space<hbm>>) target_semaphore(%arg5 : memref<!tpu.dma_semaphore, #tpu.memory_space<semaphore_mem>>)
    %get3A_46 = arith.constant 6 : i32
    %get3A_47 = arith.index_cast %get3A_46 : i32 to index
    %get3A_48 = memref.load %arg4[%get3A_47] : memref<32xi32, #tpu.memory_space<smem>>
    %dma_start3A_49 = arith.constant 6 : i32
    %dma_start3A_50 = arith.constant 0 : i32
    %dma_start3A_51 = tpu.memref_slice %arg3[%dma_start3A_49, %dma_start3A_50] : memref<32x1024xf32, #tpu.memory_space<hbm>> -> memref<1x1024xf32, #tpu.memory_space<hbm>>
    %dma_start3A_52 = arith.constant 0 : i32
    %dma_start3A_53 = tpu.memref_slice %arg2[%get3A_48, %dma_start3A_52] : memref<1024x1024xf32, #tpu.memory_space<hbm>> -> memref<1x1024xf32, #tpu.memory_space<hbm>>
    tpu.enqueue_dma source(%dma_start3A_53 : memref<1x1024xf32, #tpu.memory_space<hbm>>) target(%dma_start3A_51 : memref<1x1024xf32, #tpu.memory_space<hbm>>) target_semaphore(%arg5 : memref<!tpu.dma_semaphore, #tpu.memory_space<semaphore_mem>>)
    %get3A_54 = arith.constant 7 : i32
    %get3A_55 = arith.index_cast %get3A_54 : i32 to index
    %get3A_56 = memref.load %arg4[%get3A_55] : memref<32xi32, #tpu.memory_space<smem>>
    %dma_start3A_57 = arith.constant 7 : i32
    %dma_start3A_58 = arith.constant 0 : i32
    %dma_start3A_59 = tpu.memref_slice %arg3[%dma_start3A_57, %dma_start3A_58] : memref<32x1024xf32, #tpu.memory_space<hbm>> -> memref<1x1024xf32, #tpu.memory_space<hbm>>
    %dma_start3A_60 = arith.constant 0 : i32
    %dma_start3A_61 = tpu.memref_slice %arg2[%get3A_56, %dma_start3A_60] : memref<1024x1024xf32, #tpu.memory_space<hbm>> -> memref<1x1024xf32, #tpu.memory_space<hbm>>
    tpu.enqueue_dma source(%dma_start3A_61 : memref<1x1024xf32, #tpu.memory_space<hbm>>) target(%dma_start3A_59 : memref<1x1024xf32, #tpu.memory_space<hbm>>) target_semaphore(%arg5 : memref<!tpu.dma_semaphore, #tpu.memory_space<semaphore_mem>>)
    %get3A_62 = arith.constant 8 : i32
    %get3A_63 = arith.index_cast %get3A_62 : i32 to index
    %get3A_64 = memref.load %arg4[%get3A_63] : memref<32xi32, #tpu.memory_space<smem>>
    %dma_start3A_65 = arith.constant 8 : i32
    %dma_start3A_66 = arith.constant 0 : i32
    %dma_start3A_67 = tpu.memref_slice %arg3[%dma_start3A_65, %dma_start3A_66] : memref<32x1024xf32, #tpu.memory_space<hbm>> -> memref<1x1024xf32, #tpu.memory_space<hbm>>
    %dma_start3A_68 = arith.constant 0 : i32
    %dma_start3A_69 = tpu.memref_slice %arg2[%get3A_64, %dma_start3A_68] : memref<1024x1024xf32, #tpu.memory_space<hbm>> -> memref<1x1024xf32, #tpu.memory_space<hbm>>
    tpu.enqueue_dma source(%dma_start3A_69 : memref<1x1024xf32, #tpu.memory_space<hbm>>) target(%dma_start3A_67 : memref<1x1024xf32, #tpu.memory_space<hbm>>) target_semaphore(%arg5 : memref<!tpu.dma_semaphore, #tpu.memory_space<semaphore_mem>>)
    %get3A_70 = arith.constant 9 : i32
    %get3A_71 = arith.index_cast %get3A_70 : i32 to index
    %get3A_72 = memref.load %arg4[%get3A_71] : memref<32xi32, #tpu.memory_space<smem>>
    %dma_start3A_73 = arith.constant 9 : i32
    %dma_start3A_74 = arith.constant 0 : i32
    %dma_start3A_75 = tpu.memref_slice %arg3[%dma_start3A_73, %dma_start3A_74] : memref<32x1024xf32, #tpu.memory_space<hbm>> -> memref<1x1024xf32, #tpu.memory_space<hbm>>
    %dma_start3A_76 = arith.constant 0 : i32
    %dma_start3A_77 = tpu.memref_slice %arg2[%get3A_72, %dma_start3A_76] : memref<1024x1024xf32, #tpu.memory_space<hbm>> -> memref<1x1024xf32, #tpu.memory_space<hbm>>
    tpu.enqueue_dma source(%dma_start3A_77 : memref<1x1024xf32, #tpu.memory_space<hbm>>) target(%dma_start3A_75 : memref<1x1024xf32, #tpu.memory_space<hbm>>) target_semaphore(%arg5 : memref<!tpu.dma_semaphore, #tpu.memory_space<semaphore_mem>>)
    %get3A_78 = arith.constant 10 : i32
    %get3A_79 = arith.index_cast %get3A_78 : i32 to index
    %get3A_80 = memref.load %arg4[%get3A_79] : memref<32xi32, #tpu.memory_space<smem>>
    %dma_start3A_81 = arith.constant 10 : i32
    %dma_start3A_82 = arith.constant 0 : i32
    %dma_start3A_83 = tpu.memref_slice %arg3[%dma_start3A_81, %dma_start3A_82] : memref<32x1024xf32, #tpu.memory_space<hbm>> -> memref<1x1024xf32, #tpu.memory_space<hbm>>
    %dma_start3A_84 = arith.constant 0 : i32
    %dma_start3A_85 = tpu.memref_slice %arg2[%get3A_80, %dma_start3A_84] : memref<1024x1024xf32, #tpu.memory_space<hbm>> -> memref<1x1024xf32, #tpu.memory_space<hbm>>
    tpu.enqueue_dma source(%dma_start3A_85 : memref<1x1024xf32, #tpu.memory_space<hbm>>) target(%dma_start3A_83 : memref<1x1024xf32, #tpu.memory_space<hbm>>) target_semaphore(%arg5 : memref<!tpu.dma_semaphore, #tpu.memory_space<semaphore_mem>>)
    %get3A_86 = arith.constant 11 : i32
    %get3A_87 = arith.index_cast %get3A_86 : i32 to index
    %get3A_88 = memref.load %arg4[%get3A_87] : memref<32xi32, #tpu.memory_space<smem>>
    %dma_start3A_89 = arith.constant 11 : i32
    %dma_start3A_90 = arith.constant 0 : i32
    %dma_start3A_91 = tpu.memref_slice %arg3[%dma_start3A_89, %dma_start3A_90] : memref<32x1024xf32, #tpu.memory_space<hbm>> -> memref<1x1024xf32, #tpu.memory_space<hbm>>
    %dma_start3A_92 = arith.constant 0 : i32
    %dma_start3A_93 = tpu.memref_slice %arg2[%get3A_88, %dma_start3A_92] : memref<1024x1024xf32, #tpu.memory_space<hbm>> -> memref<1x1024xf32, #tpu.memory_space<hbm>>
    tpu.enqueue_dma source(%dma_start3A_93 : memref<1x1024xf32, #tpu.memory_space<hbm>>) target(%dma_start3A_91 : memref<1x1024xf32, #tpu.memory_space<hbm>>) target_semaphore(%arg5 : memref<!tpu.dma_semaphore, #tpu.memory_space<semaphore_mem>>)
    %get3A_94 = arith.constant 12 : i32
    %get3A_95 = arith.index_cast %get3A_94 : i32 to index
    %get3A_96 = memref.load %arg4[%get3A_95] : memref<32xi32, #tpu.memory_space<smem>>
    %dma_start3A_97 = arith.constant 12 : i32
    %dma_start3A_98 = arith.constant 0 : i32
    %dma_start3A_99 = tpu.memref_slice %arg3[%dma_start3A_97, %dma_start3A_98] : memref<32x1024xf32, #tpu.memory_space<hbm>> -> memref<1x1024xf32, #tpu.memory_space<hbm>>
    %dma_start3A_100 = arith.constant 0 : i32
    %dma_start3A_101 = tpu.memref_slice %arg2[%get3A_96, %dma_start3A_100] : memref<1024x1024xf32, #tpu.memory_space<hbm>> -> memref<1x1024xf32, #tpu.memory_space<hbm>>
    tpu.enqueue_dma source(%dma_start3A_101 : memref<1x1024xf32, #tpu.memory_space<hbm>>) target(%dma_start3A_99 : memref<1x1024xf32, #tpu.memory_space<hbm>>) target_semaphore(%arg5 : memref<!tpu.dma_semaphore, #tpu.memory_space<semaphore_mem>>)
    %get3A_102 = arith.constant 13 : i32
    %get3A_103 = arith.index_cast %get3A_102 : i32 to index
    %get3A_104 = memref.load %arg4[%get3A_103] : memref<32xi32, #tpu.memory_space<smem>>
    %dma_start3A_105 = arith.constant 13 : i32
    %dma_start3A_106 = arith.constant 0 : i32
    %dma_start3A_107 = tpu.memref_slice %arg3[%dma_start3A_105, %dma_start3A_106] : memref<32x1024xf32, #tpu.memory_space<hbm>> -> memref<1x1024xf32, #tpu.memory_space<hbm>>
    %dma_start3A_108 = arith.constant 0 : i32
    %dma_start3A_109 = tpu.memref_slice %arg2[%get3A_104, %dma_start3A_108] : memref<1024x1024xf32, #tpu.memory_space<hbm>> -> memref<1x1024xf32, #tpu.memory_space<hbm>>
    tpu.enqueue_dma source(%dma_start3A_109 : memref<1x1024xf32, #tpu.memory_space<hbm>>) target(%dma_start3A_107 : memref<1x1024xf32, #tpu.memory_space<hbm>>) target_semaphore(%arg5 : memref<!tpu.dma_semaphore, #tpu.memory_space<semaphore_mem>>)
    %get3A_110 = arith.constant 14 : i32
    %get3A_111 = arith.index_cast %get3A_110 : i32 to index
    %get3A_112 = memref.load %arg4[%get3A_111] : memref<32xi32, #tpu.memory_space<smem>>
    %dma_start3A_113 = arith.constant 14 : i32
    %dma_start3A_114 = arith.constant 0 : i32
    %dma_start3A_115 = tpu.memref_slice %arg3[%dma_start3A_113, %dma_start3A_114] : memref<32x1024xf32, #tpu.memory_space<hbm>> -> memref<1x1024xf32, #tpu.memory_space<hbm>>
    %dma_start3A_116 = arith.constant 0 : i32
    %dma_start3A_117 = tpu.memref_slice %arg2[%get3A_112, %dma_start3A_116] : memref<1024x1024xf32, #tpu.memory_space<hbm>> -> memref<1x1024xf32, #tpu.memory_space<hbm>>
    tpu.enqueue_dma source(%dma_start3A_117 : memref<1x1024xf32, #tpu.memory_space<hbm>>) target(%dma_start3A_115 : memref<1x1024xf32, #tpu.memory_space<hbm>>) target_semaphore(%arg5 : memref<!tpu.dma_semaphore, #tpu.memory_space<semaphore_mem>>)
    %get3A_118 = arith.constant 15 : i32
    %get3A_119 = arith.index_cast %get3A_118 : i32 to index
    %get3A_120 = memref.load %arg4[%get3A_119] : memref<32xi32, #tpu.memory_space<smem>>
    %dma_start3A_121 = arith.constant 15 : i32
    %dma_start3A_122 = arith.constant 0 : i32
    %dma_start3A_123 = tpu.memref_slice %arg3[%dma_start3A_121, %dma_start3A_122] : memref<32x1024xf32, #tpu.memory_space<hbm>> -> memref<1x1024xf32, #tpu.memory_space<hbm>>
    %dma_start3A_124 = arith.constant 0 : i32
    %dma_start3A_125 = tpu.memref_slice %arg2[%get3A_120, %dma_start3A_124] : memref<1024x1024xf32, #tpu.memory_space<hbm>> -> memref<1x1024xf32, #tpu.memory_space<hbm>>
    tpu.enqueue_dma source(%dma_start3A_125 : memref<1x1024xf32, #tpu.memory_space<hbm>>) target(%dma_start3A_123 : memref<1x1024xf32, #tpu.memory_space<hbm>>) target_semaphore(%arg5 : memref<!tpu.dma_semaphore, #tpu.memory_space<semaphore_mem>>)
    %get3A_126 = arith.constant 16 : i32
    %get3A_127 = arith.index_cast %get3A_126 : i32 to index
    %get3A_128 = memref.load %arg4[%get3A_127] : memref<32xi32, #tpu.memory_space<smem>>
    %dma_start3A_129 = arith.constant 16 : i32
    %dma_start3A_130 = arith.constant 0 : i32
    %dma_start3A_131 = tpu.memref_slice %arg3[%dma_start3A_129, %dma_start3A_130] : memref<32x1024xf32, #tpu.memory_space<hbm>> -> memref<1x1024xf32, #tpu.memory_space<hbm>>
    %dma_start3A_132 = arith.constant 0 : i32
    %dma_start3A_133 = tpu.memref_slice %arg2[%get3A_128, %dma_start3A_132] : memref<1024x1024xf32, #tpu.memory_space<hbm>> -> memref<1x1024xf32, #tpu.memory_space<hbm>>
    tpu.enqueue_dma source(%dma_start3A_133 : memref<1x1024xf32, #tpu.memory_space<hbm>>) target(%dma_start3A_131 : memref<1x1024xf32, #tpu.memory_space<hbm>>) target_semaphore(%arg5 : memref<!tpu.dma_semaphore, #tpu.memory_space<semaphore_mem>>)
    %get3A_134 = arith.constant 17 : i32
    %get3A_135 = arith.index_cast %get3A_134 : i32 to index
    %get3A_136 = memref.load %arg4[%get3A_135] : memref<32xi32, #tpu.memory_space<smem>>
    %dma_start3A_137 = arith.constant 17 : i32
    %dma_start3A_138 = arith.constant 0 : i32
    %dma_start3A_139 = tpu.memref_slice %arg3[%dma_start3A_137, %dma_start3A_138] : memref<32x1024xf32, #tpu.memory_space<hbm>> -> memref<1x1024xf32, #tpu.memory_space<hbm>>
    %dma_start3A_140 = arith.constant 0 : i32
    %dma_start3A_141 = tpu.memref_slice %arg2[%get3A_136, %dma_start3A_140] : memref<1024x1024xf32, #tpu.memory_space<hbm>> -> memref<1x1024xf32, #tpu.memory_space<hbm>>
    tpu.enqueue_dma source(%dma_start3A_141 : memref<1x1024xf32, #tpu.memory_space<hbm>>) target(%dma_start3A_139 : memref<1x1024xf32, #tpu.memory_space<hbm>>) target_semaphore(%arg5 : memref<!tpu.dma_semaphore, #tpu.memory_space<semaphore_mem>>)
    %get3A_142 = arith.constant 18 : i32
    %get3A_143 = arith.index_cast %get3A_142 : i32 to index
    %get3A_144 = memref.load %arg4[%get3A_143] : memref<32xi32, #tpu.memory_space<smem>>
    %dma_start3A_145 = arith.constant 18 : i32
    %dma_start3A_146 = arith.constant 0 : i32
    %dma_start3A_147 = tpu.memref_slice %arg3[%dma_start3A_145, %dma_start3A_146] : memref<32x1024xf32, #tpu.memory_space<hbm>> -> memref<1x1024xf32, #tpu.memory_space<hbm>>
    %dma_start3A_148 = arith.constant 0 : i32
    %dma_start3A_149 = tpu.memref_slice %arg2[%get3A_144, %dma_start3A_148] : memref<1024x1024xf32, #tpu.memory_space<hbm>> -> memref<1x1024xf32, #tpu.memory_space<hbm>>
    tpu.enqueue_dma source(%dma_start3A_149 : memref<1x1024xf32, #tpu.memory_space<hbm>>) target(%dma_start3A_147 : memref<1x1024xf32, #tpu.memory_space<hbm>>) target_semaphore(%arg5 : memref<!tpu.dma_semaphore, #tpu.memory_space<semaphore_mem>>)
    %get3A_150 = arith.constant 19 : i32
    %get3A_151 = arith.index_cast %get3A_150 : i32 to index
    %get3A_152 = memref.load %arg4[%get3A_151] : memref<32xi32, #tpu.memory_space<smem>>
    %dma_start3A_153 = arith.constant 19 : i32
    %dma_start3A_154 = arith.constant 0 : i32
    %dma_start3A_155 = tpu.memref_slice %arg3[%dma_start3A_153, %dma_start3A_154] : memref<32x1024xf32, #tpu.memory_space<hbm>> -> memref<1x1024xf32, #tpu.memory_space<hbm>>
    %dma_start3A_156 = arith.constant 0 : i32
    %dma_start3A_157 = tpu.memref_slice %arg2[%get3A_152, %dma_start3A_156] : memref<1024x1024xf32, #tpu.memory_space<hbm>> -> memref<1x1024xf32, #tpu.memory_space<hbm>>
    tpu.enqueue_dma source(%dma_start3A_157 : memref<1x1024xf32, #tpu.memory_space<hbm>>) target(%dma_start3A_155 : memref<1x1024xf32, #tpu.memory_space<hbm>>) target_semaphore(%arg5 : memref<!tpu.dma_semaphore, #tpu.memory_space<semaphore_mem>>)
    %get3A_158 = arith.constant 20 : i32
    %get3A_159 = arith.index_cast %get3A_158 : i32 to index
    %get3A_160 = memref.load %arg4[%get3A_159] : memref<32xi32, #tpu.memory_space<smem>>
    %dma_start3A_161 = arith.constant 20 : i32
    %dma_start3A_162 = arith.constant 0 : i32
    %dma_start3A_163 = tpu.memref_slice %arg3[%dma_start3A_161, %dma_start3A_162] : memref<32x1024xf32, #tpu.memory_space<hbm>> -> memref<1x1024xf32, #tpu.memory_space<hbm>>
    %dma_start3A_164 = arith.constant 0 : i32
    %dma_start3A_165 = tpu.memref_slice %arg2[%get3A_160, %dma_start3A_164] : memref<1024x1024xf32, #tpu.memory_space<hbm>> -> memref<1x1024xf32, #tpu.memory_space<hbm>>
    tpu.enqueue_dma source(%dma_start3A_165 : memref<1x1024xf32, #tpu.memory_space<hbm>>) target(%dma_start3A_163 : memref<1x1024xf32, #tpu.memory_space<hbm>>) target_semaphore(%arg5 : memref<!tpu.dma_semaphore, #tpu.memory_space<semaphore_mem>>)
    %get3A_166 = arith.constant 21 : i32
    %get3A_167 = arith.index_cast %get3A_166 : i32 to index
    %get3A_168 = memref.load %arg4[%get3A_167] : memref<32xi32, #tpu.memory_space<smem>>
    %dma_start3A_169 = arith.constant 21 : i32
    %dma_start3A_170 = arith.constant 0 : i32
    %dma_start3A_171 = tpu.memref_slice %arg3[%dma_start3A_169, %dma_start3A_170] : memref<32x1024xf32, #tpu.memory_space<hbm>> -> memref<1x1024xf32, #tpu.memory_space<hbm>>
    %dma_start3A_172 = arith.constant 0 : i32
    %dma_start3A_173 = tpu.memref_slice %arg2[%get3A_168, %dma_start3A_172] : memref<1024x1024xf32, #tpu.memory_space<hbm>> -> memref<1x1024xf32, #tpu.memory_space<hbm>>
    tpu.enqueue_dma source(%dma_start3A_173 : memref<1x1024xf32, #tpu.memory_space<hbm>>) target(%dma_start3A_171 : memref<1x1024xf32, #tpu.memory_space<hbm>>) target_semaphore(%arg5 : memref<!tpu.dma_semaphore, #tpu.memory_space<semaphore_mem>>)
    %get3A_174 = arith.constant 22 : i32
    %get3A_175 = arith.index_cast %get3A_174 : i32 to index
    %get3A_176 = memref.load %arg4[%get3A_175] : memref<32xi32, #tpu.memory_space<smem>>
    %dma_start3A_177 = arith.constant 22 : i32
    %dma_start3A_178 = arith.constant 0 : i32
    %dma_start3A_179 = tpu.memref_slice %arg3[%dma_start3A_177, %dma_start3A_178] : memref<32x1024xf32, #tpu.memory_space<hbm>> -> memref<1x1024xf32, #tpu.memory_space<hbm>>
    %dma_start3A_180 = arith.constant 0 : i32
    %dma_start3A_181 = tpu.memref_slice %arg2[%get3A_176, %dma_start3A_180] : memref<1024x1024xf32, #tpu.memory_space<hbm>> -> memref<1x1024xf32, #tpu.memory_space<hbm>>
    tpu.enqueue_dma source(%dma_start3A_181 : memref<1x1024xf32, #tpu.memory_space<hbm>>) target(%dma_start3A_179 : memref<1x1024xf32, #tpu.memory_space<hbm>>) target_semaphore(%arg5 : memref<!tpu.dma_semaphore, #tpu.memory_space<semaphore_mem>>)
    %get3A_182 = arith.constant 23 : i32
    %get3A_183 = arith.index_cast %get3A_182 : i32 to index
    %get3A_184 = memref.load %arg4[%get3A_183] : memref<32xi32, #tpu.memory_space<smem>>
    %dma_start3A_185 = arith.constant 23 : i32
    %dma_start3A_186 = arith.constant 0 : i32
    %dma_start3A_187 = tpu.memref_slice %arg3[%dma_start3A_185, %dma_start3A_186] : memref<32x1024xf32, #tpu.memory_space<hbm>> -> memref<1x1024xf32, #tpu.memory_space<hbm>>
    %dma_start3A_188 = arith.constant 0 : i32
    %dma_start3A_189 = tpu.memref_slice %arg2[%get3A_184, %dma_start3A_188] : memref<1024x1024xf32, #tpu.memory_space<hbm>> -> memref<1x1024xf32, #tpu.memory_space<hbm>>
    tpu.enqueue_dma source(%dma_start3A_189 : memref<1x1024xf32, #tpu.memory_space<hbm>>) target(%dma_start3A_187 : memref<1x1024xf32, #tpu.memory_space<hbm>>) target_semaphore(%arg5 : memref<!tpu.dma_semaphore, #tpu.memory_space<semaphore_mem>>)
    %get3A_190 = arith.constant 24 : i32
    %get3A_191 = arith.index_cast %get3A_190 : i32 to index
    %get3A_192 = memref.load %arg4[%get3A_191] : memref<32xi32, #tpu.memory_space<smem>>
    %dma_start3A_193 = arith.constant 24 : i32
    %dma_start3A_194 = arith.constant 0 : i32
    %dma_start3A_195 = tpu.memref_slice %arg3[%dma_start3A_193, %dma_start3A_194] : memref<32x1024xf32, #tpu.memory_space<hbm>> -> memref<1x1024xf32, #tpu.memory_space<hbm>>
    %dma_start3A_196 = arith.constant 0 : i32
    %dma_start3A_197 = tpu.memref_slice %arg2[%get3A_192, %dma_start3A_196] : memref<1024x1024xf32, #tpu.memory_space<hbm>> -> memref<1x1024xf32, #tpu.memory_space<hbm>>
    tpu.enqueue_dma source(%dma_start3A_197 : memref<1x1024xf32, #tpu.memory_space<hbm>>) target(%dma_start3A_195 : memref<1x1024xf32, #tpu.memory_space<hbm>>) target_semaphore(%arg5 : memref<!tpu.dma_semaphore, #tpu.memory_space<semaphore_mem>>)
    %get3A_198 = arith.constant 25 : i32
    %get3A_199 = arith.index_cast %get3A_198 : i32 to index
    %get3A_200 = memref.load %arg4[%get3A_199] : memref<32xi32, #tpu.memory_space<smem>>
    %dma_start3A_201 = arith.constant 25 : i32
    %dma_start3A_202 = arith.constant 0 : i32
    %dma_start3A_203 = tpu.memref_slice %arg3[%dma_start3A_201, %dma_start3A_202] : memref<32x1024xf32, #tpu.memory_space<hbm>> -> memref<1x1024xf32, #tpu.memory_space<hbm>>
    %dma_start3A_204 = arith.constant 0 : i32
    %dma_start3A_205 = tpu.memref_slice %arg2[%get3A_200, %dma_start3A_204] : memref<1024x1024xf32, #tpu.memory_space<hbm>> -> memref<1x1024xf32, #tpu.memory_space<hbm>>
    tpu.enqueue_dma source(%dma_start3A_205 : memref<1x1024xf32, #tpu.memory_space<hbm>>) target(%dma_start3A_203 : memref<1x1024xf32, #tpu.memory_space<hbm>>) target_semaphore(%arg5 : memref<!tpu.dma_semaphore, #tpu.memory_space<semaphore_mem>>)
    %get3A_206 = arith.constant 26 : i32
    %get3A_207 = arith.index_cast %get3A_206 : i32 to index
    %get3A_208 = memref.load %arg4[%get3A_207] : memref<32xi32, #tpu.memory_space<smem>>
    %dma_start3A_209 = arith.constant 26 : i32
    %dma_start3A_210 = arith.constant 0 : i32
    %dma_start3A_211 = tpu.memref_slice %arg3[%dma_start3A_209, %dma_start3A_210] : memref<32x1024xf32, #tpu.memory_space<hbm>> -> memref<1x1024xf32, #tpu.memory_space<hbm>>
    %dma_start3A_212 = arith.constant 0 : i32
    %dma_start3A_213 = tpu.memref_slice %arg2[%get3A_208, %dma_start3A_212] : memref<1024x1024xf32, #tpu.memory_space<hbm>> -> memref<1x1024xf32, #tpu.memory_space<hbm>>
    tpu.enqueue_dma source(%dma_start3A_213 : memref<1x1024xf32, #tpu.memory_space<hbm>>) target(%dma_start3A_211 : memref<1x1024xf32, #tpu.memory_space<hbm>>) target_semaphore(%arg5 : memref<!tpu.dma_semaphore, #tpu.memory_space<semaphore_mem>>)
    %get3A_214 = arith.constant 27 : i32
    %get3A_215 = arith.index_cast %get3A_214 : i32 to index
    %get3A_216 = memref.load %arg4[%get3A_215] : memref<32xi32, #tpu.memory_space<smem>>
    %dma_start3A_217 = arith.constant 27 : i32
    %dma_start3A_218 = arith.constant 0 : i32
    %dma_start3A_219 = tpu.memref_slice %arg3[%dma_start3A_217, %dma_start3A_218] : memref<32x1024xf32, #tpu.memory_space<hbm>> -> memref<1x1024xf32, #tpu.memory_space<hbm>>
    %dma_start3A_220 = arith.constant 0 : i32
    %dma_start3A_221 = tpu.memref_slice %arg2[%get3A_216, %dma_start3A_220] : memref<1024x1024xf32, #tpu.memory_space<hbm>> -> memref<1x1024xf32, #tpu.memory_space<hbm>>
    tpu.enqueue_dma source(%dma_start3A_221 : memref<1x1024xf32, #tpu.memory_space<hbm>>) target(%dma_start3A_219 : memref<1x1024xf32, #tpu.memory_space<hbm>>) target_semaphore(%arg5 : memref<!tpu.dma_semaphore, #tpu.memory_space<semaphore_mem>>)
    %get3A_222 = arith.constant 28 : i32
    %get3A_223 = arith.index_cast %get3A_222 : i32 to index
    %get3A_224 = memref.load %arg4[%get3A_223] : memref<32xi32, #tpu.memory_space<smem>>
    %dma_start3A_225 = arith.constant 28 : i32
    %dma_start3A_226 = arith.constant 0 : i32
    %dma_start3A_227 = tpu.memref_slice %arg3[%dma_start3A_225, %dma_start3A_226] : memref<32x1024xf32, #tpu.memory_space<hbm>> -> memref<1x1024xf32, #tpu.memory_space<hbm>>
    %dma_start3A_228 = arith.constant 0 : i32
    %dma_start3A_229 = tpu.memref_slice %arg2[%get3A_224, %dma_start3A_228] : memref<1024x1024xf32, #tpu.memory_space<hbm>> -> memref<1x1024xf32, #tpu.memory_space<hbm>>
    tpu.enqueue_dma source(%dma_start3A_229 : memref<1x1024xf32, #tpu.memory_space<hbm>>) target(%dma_start3A_227 : memref<1x1024xf32, #tpu.memory_space<hbm>>) target_semaphore(%arg5 : memref<!tpu.dma_semaphore, #tpu.memory_space<semaphore_mem>>)
    %get3A_230 = arith.constant 29 : i32
    %get3A_231 = arith.index_cast %get3A_230 : i32 to index
    %get3A_232 = memref.load %arg4[%get3A_231] : memref<32xi32, #tpu.memory_space<smem>>
    %dma_start3A_233 = arith.constant 29 : i32
    %dma_start3A_234 = arith.constant 0 : i32
    %dma_start3A_235 = tpu.memref_slice %arg3[%dma_start3A_233, %dma_start3A_234] : memref<32x1024xf32, #tpu.memory_space<hbm>> -> memref<1x1024xf32, #tpu.memory_space<hbm>>
    %dma_start3A_236 = arith.constant 0 : i32
    %dma_start3A_237 = tpu.memref_slice %arg2[%get3A_232, %dma_start3A_236] : memref<1024x1024xf32, #tpu.memory_space<hbm>> -> memref<1x1024xf32, #tpu.memory_space<hbm>>
    tpu.enqueue_dma source(%dma_start3A_237 : memref<1x1024xf32, #tpu.memory_space<hbm>>) target(%dma_start3A_235 : memref<1x1024xf32, #tpu.memory_space<hbm>>) target_semaphore(%arg5 : memref<!tpu.dma_semaphore, #tpu.memory_space<semaphore_mem>>)
    %get3A_238 = arith.constant 30 : i32
    %get3A_239 = arith.index_cast %get3A_238 : i32 to index
    %get3A_240 = memref.load %arg4[%get3A_239] : memref<32xi32, #tpu.memory_space<smem>>
    %dma_start3A_241 = arith.constant 30 : i32
    %dma_start3A_242 = arith.constant 0 : i32
    %dma_start3A_243 = tpu.memref_slice %arg3[%dma_start3A_241, %dma_start3A_242] : memref<32x1024xf32, #tpu.memory_space<hbm>> -> memref<1x1024xf32, #tpu.memory_space<hbm>>
    %dma_start3A_244 = arith.constant 0 : i32
    %dma_start3A_245 = tpu.memref_slice %arg2[%get3A_240, %dma_start3A_244] : memref<1024x1024xf32, #tpu.memory_space<hbm>> -> memref<1x1024xf32, #tpu.memory_space<hbm>>
    tpu.enqueue_dma source(%dma_start3A_245 : memref<1x1024xf32, #tpu.memory_space<hbm>>) target(%dma_start3A_243 : memref<1x1024xf32, #tpu.memory_space<hbm>>) target_semaphore(%arg5 : memref<!tpu.dma_semaphore, #tpu.memory_space<semaphore_mem>>)
    %get3A_246 = arith.constant 31 : i32
    %get3A_247 = arith.index_cast %get3A_246 : i32 to index
    %get3A_248 = memref.load %arg4[%get3A_247] : memref<32xi32, #tpu.memory_space<smem>>
    %dma_start3A_249 = arith.constant 31 : i32
    %dma_start3A_250 = arith.constant 0 : i32
    %dma_start3A_251 = tpu.memref_slice %arg3[%dma_start3A_249, %dma_start3A_250] : memref<32x1024xf32, #tpu.memory_space<hbm>> -> memref<1x1024xf32, #tpu.memory_space<hbm>>
    %dma_start3A_252 = arith.constant 0 : i32
    %dma_start3A_253 = tpu.memref_slice %arg2[%get3A_248, %dma_start3A_252] : memref<1024x1024xf32, #tpu.memory_space<hbm>> -> memref<1x1024xf32, #tpu.memory_space<hbm>>
    tpu.enqueue_dma source(%dma_start3A_253 : memref<1x1024xf32, #tpu.memory_space<hbm>>) target(%dma_start3A_251 : memref<1x1024xf32, #tpu.memory_space<hbm>>) target_semaphore(%arg5 : memref<!tpu.dma_semaphore, #tpu.memory_space<semaphore_mem>>)
    %dma_wait3A = arith.constant 0 : i32
    %dma_wait3A_254 = arith.constant 0 : i32
    %dma_wait3A_255 = tpu.memref_slice %arg3[%dma_wait3A, %dma_wait3A_254] : memref<32x1024xf32, #tpu.memory_space<hbm>> -> memref<1x1024xf32, #tpu.memory_space<hbm>>
    %dma_wait3A_256 = arith.constant 0 : i32
    %dma_wait3A_257 = tpu.memref_slice %arg2[%get3A_1, %dma_wait3A_256] : memref<1024x1024xf32, #tpu.memory_space<hbm>> -> memref<1x1024xf32, #tpu.memory_space<hbm>>
    tpu.wait_dma2 semaphore(%arg5 : memref<!tpu.dma_semaphore, #tpu.memory_space<semaphore_mem>>) src(%dma_wait3A_257 : memref<1x1024xf32, #tpu.memory_space<hbm>>) dst(%dma_wait3A_255 : memref<1x1024xf32, #tpu.memory_space<hbm>>)
    %dma_wait3A_258 = arith.constant 1 : i32
    %dma_wait3A_259 = arith.constant 0 : i32
    %dma_wait3A_260 = tpu.memref_slice %arg3[%dma_wait3A_258, %dma_wait3A_259] : memref<32x1024xf32, #tpu.memory_space<hbm>> -> memref<1x1024xf32, #tpu.memory_space<hbm>>
    %dma_wait3A_261 = arith.constant 0 : i32
    %dma_wait3A_262 = tpu.memref_slice %arg2[%get3A_8, %dma_wait3A_261] : memref<1024x1024xf32, #tpu.memory_space<hbm>> -> memref<1x1024xf32, #tpu.memory_space<hbm>>
    tpu.wait_dma2 semaphore(%arg5 : memref<!tpu.dma_semaphore, #tpu.memory_space<semaphore_mem>>) src(%dma_wait3A_262 : memref<1x1024xf32, #tpu.memory_space<hbm>>) dst(%dma_wait3A_260 : memref<1x1024xf32, #tpu.memory_space<hbm>>)
    %dma_wait3A_263 = arith.constant 2 : i32
    %dma_wait3A_264 = arith.constant 0 : i32
    %dma_wait3A_265 = tpu.memref_slice %arg3[%dma_wait3A_263, %dma_wait3A_264] : memref<32x1024xf32, #tpu.memory_space<hbm>> -> memref<1x1024xf32, #tpu.memory_space<hbm>>
    %dma_wait3A_266 = arith.constant 0 : i32
    %dma_wait3A_267 = tpu.memref_slice %arg2[%get3A_16, %dma_wait3A_266] : memref<1024x1024xf32, #tpu.memory_space<hbm>> -> memref<1x1024xf32, #tpu.memory_space<hbm>>
    tpu.wait_dma2 semaphore(%arg5 : memref<!tpu.dma_semaphore, #tpu.memory_space<semaphore_mem>>) src(%dma_wait3A_267 : memref<1x1024xf32, #tpu.memory_space<hbm>>) dst(%dma_wait3A_265 : memref<1x1024xf32, #tpu.memory_space<hbm>>)
    %dma_wait3A_268 = arith.constant 3 : i32
    %dma_wait3A_269 = arith.constant 0 : i32
    %dma_wait3A_270 = tpu.memref_slice %arg3[%dma_wait3A_268, %dma_wait3A_269] : memref<32x1024xf32, #tpu.memory_space<hbm>> -> memref<1x1024xf32, #tpu.memory_space<hbm>>
    %dma_wait3A_271 = arith.constant 0 : i32
    %dma_wait3A_272 = tpu.memref_slice %arg2[%get3A_24, %dma_wait3A_271] : memref<1024x1024xf32, #tpu.memory_space<hbm>> -> memref<1x1024xf32, #tpu.memory_space<hbm>>
    tpu.wait_dma2 semaphore(%arg5 : memref<!tpu.dma_semaphore, #tpu.memory_space<semaphore_mem>>) src(%dma_wait3A_272 : memref<1x1024xf32, #tpu.memory_space<hbm>>) dst(%dma_wait3A_270 : memref<1x1024xf32, #tpu.memory_space<hbm>>)
    %dma_wait3A_273 = arith.constant 4 : i32
    %dma_wait3A_274 = arith.constant 0 : i32
    %dma_wait3A_275 = tpu.memref_slice %arg3[%dma_wait3A_273, %dma_wait3A_274] : memref<32x1024xf32, #tpu.memory_space<hbm>> -> memref<1x1024xf32, #tpu.memory_space<hbm>>
    %dma_wait3A_276 = arith.constant 0 : i32
    %dma_wait3A_277 = tpu.memref_slice %arg2[%get3A_32, %dma_wait3A_276] : memref<1024x1024xf32, #tpu.memory_space<hbm>> -> memref<1x1024xf32, #tpu.memory_space<hbm>>
    tpu.wait_dma2 semaphore(%arg5 : memref<!tpu.dma_semaphore, #tpu.memory_space<semaphore_mem>>) src(%dma_wait3A_277 : memref<1x1024xf32, #tpu.memory_space<hbm>>) dst(%dma_wait3A_275 : memref<1x1024xf32, #tpu.memory_space<hbm>>)
    %dma_wait3A_278 = arith.constant 5 : i32
    %dma_wait3A_279 = arith.constant 0 : i32
    %dma_wait3A_280 = tpu.memref_slice %arg3[%dma_wait3A_278, %dma_wait3A_279] : memref<32x1024xf32, #tpu.memory_space<hbm>> -> memref<1x1024xf32, #tpu.memory_space<hbm>>
    %dma_wait3A_281 = arith.constant 0 : i32
    %dma_wait3A_282 = tpu.memref_slice %arg2[%get3A_40, %dma_wait3A_281] : memref<1024x1024xf32, #tpu.memory_space<hbm>> -> memref<1x1024xf32, #tpu.memory_space<hbm>>
    tpu.wait_dma2 semaphore(%arg5 : memref<!tpu.dma_semaphore, #tpu.memory_space<semaphore_mem>>) src(%dma_wait3A_282 : memref<1x1024xf32, #tpu.memory_space<hbm>>) dst(%dma_wait3A_280 : memref<1x1024xf32, #tpu.memory_space<hbm>>)
    %dma_wait3A_283 = arith.constant 6 : i32
    %dma_wait3A_284 = arith.constant 0 : i32
    %dma_wait3A_285 = tpu.memref_slice %arg3[%dma_wait3A_283, %dma_wait3A_284] : memref<32x1024xf32, #tpu.memory_space<hbm>> -> memref<1x1024xf32, #tpu.memory_space<hbm>>
    %dma_wait3A_286 = arith.constant 0 : i32
    %dma_wait3A_287 = tpu.memref_slice %arg2[%get3A_48, %dma_wait3A_286] : memref<1024x1024xf32, #tpu.memory_space<hbm>> -> memref<1x1024xf32, #tpu.memory_space<hbm>>
    tpu.wait_dma2 semaphore(%arg5 : memref<!tpu.dma_semaphore, #tpu.memory_space<semaphore_mem>>) src(%dma_wait3A_287 : memref<1x1024xf32, #tpu.memory_space<hbm>>) dst(%dma_wait3A_285 : memref<1x1024xf32, #tpu.memory_space<hbm>>)
    %dma_wait3A_288 = arith.constant 7 : i32
    %dma_wait3A_289 = arith.constant 0 : i32
    %dma_wait3A_290 = tpu.memref_slice %arg3[%dma_wait3A_288, %dma_wait3A_289] : memref<32x1024xf32, #tpu.memory_space<hbm>> -> memref<1x1024xf32, #tpu.memory_space<hbm>>
    %dma_wait3A_291 = arith.constant 0 : i32
    %dma_wait3A_292 = tpu.memref_slice %arg2[%get3A_56, %dma_wait3A_291] : memref<1024x1024xf32, #tpu.memory_space<hbm>> -> memref<1x1024xf32, #tpu.memory_space<hbm>>
    tpu.wait_dma2 semaphore(%arg5 : memref<!tpu.dma_semaphore, #tpu.memory_space<semaphore_mem>>) src(%dma_wait3A_292 : memref<1x1024xf32, #tpu.memory_space<hbm>>) dst(%dma_wait3A_290 : memref<1x1024xf32, #tpu.memory_space<hbm>>)
    %dma_wait3A_293 = arith.constant 8 : i32
    %dma_wait3A_294 = arith.constant 0 : i32
    %dma_wait3A_295 = tpu.memref_slice %arg3[%dma_wait3A_293, %dma_wait3A_294] : memref<32x1024xf32, #tpu.memory_space<hbm>> -> memref<1x1024xf32, #tpu.memory_space<hbm>>
    %dma_wait3A_296 = arith.constant 0 : i32
    %dma_wait3A_297 = tpu.memref_slice %arg2[%get3A_64, %dma_wait3A_296] : memref<1024x1024xf32, #tpu.memory_space<hbm>> -> memref<1x1024xf32, #tpu.memory_space<hbm>>
    tpu.wait_dma2 semaphore(%arg5 : memref<!tpu.dma_semaphore, #tpu.memory_space<semaphore_mem>>) src(%dma_wait3A_297 : memref<1x1024xf32, #tpu.memory_space<hbm>>) dst(%dma_wait3A_295 : memref<1x1024xf32, #tpu.memory_space<hbm>>)
    %dma_wait3A_298 = arith.constant 9 : i32
    %dma_wait3A_299 = arith.constant 0 : i32
    %dma_wait3A_300 = tpu.memref_slice %arg3[%dma_wait3A_298, %dma_wait3A_299] : memref<32x1024xf32, #tpu.memory_space<hbm>> -> memref<1x1024xf32, #tpu.memory_space<hbm>>
    %dma_wait3A_301 = arith.constant 0 : i32
    %dma_wait3A_302 = tpu.memref_slice %arg2[%get3A_72, %dma_wait3A_301] : memref<1024x1024xf32, #tpu.memory_space<hbm>> -> memref<1x1024xf32, #tpu.memory_space<hbm>>
    tpu.wait_dma2 semaphore(%arg5 : memref<!tpu.dma_semaphore, #tpu.memory_space<semaphore_mem>>) src(%dma_wait3A_302 : memref<1x1024xf32, #tpu.memory_space<hbm>>) dst(%dma_wait3A_300 : memref<1x1024xf32, #tpu.memory_space<hbm>>)
    %dma_wait3A_303 = arith.constant 10 : i32
    %dma_wait3A_304 = arith.constant 0 : i32
    %dma_wait3A_305 = tpu.memref_slice %arg3[%dma_wait3A_303, %dma_wait3A_304] : memref<32x1024xf32, #tpu.memory_space<hbm>> -> memref<1x1024xf32, #tpu.memory_space<hbm>>
    %dma_wait3A_306 = arith.constant 0 : i32
    %dma_wait3A_307 = tpu.memref_slice %arg2[%get3A_80, %dma_wait3A_306] : memref<1024x1024xf32, #tpu.memory_space<hbm>> -> memref<1x1024xf32, #tpu.memory_space<hbm>>
    tpu.wait_dma2 semaphore(%arg5 : memref<!tpu.dma_semaphore, #tpu.memory_space<semaphore_mem>>) src(%dma_wait3A_307 : memref<1x1024xf32, #tpu.memory_space<hbm>>) dst(%dma_wait3A_305 : memref<1x1024xf32, #tpu.memory_space<hbm>>)
    %dma_wait3A_308 = arith.constant 11 : i32
    %dma_wait3A_309 = arith.constant 0 : i32
    %dma_wait3A_310 = tpu.memref_slice %arg3[%dma_wait3A_308, %dma_wait3A_309] : memref<32x1024xf32, #tpu.memory_space<hbm>> -> memref<1x1024xf32, #tpu.memory_space<hbm>>
    %dma_wait3A_311 = arith.constant 0 : i32
    %dma_wait3A_312 = tpu.memref_slice %arg2[%get3A_88, %dma_wait3A_311] : memref<1024x1024xf32, #tpu.memory_space<hbm>> -> memref<1x1024xf32, #tpu.memory_space<hbm>>
    tpu.wait_dma2 semaphore(%arg5 : memref<!tpu.dma_semaphore, #tpu.memory_space<semaphore_mem>>) src(%dma_wait3A_312 : memref<1x1024xf32, #tpu.memory_space<hbm>>) dst(%dma_wait3A_310 : memref<1x1024xf32, #tpu.memory_space<hbm>>)
    %dma_wait3A_313 = arith.constant 12 : i32
    %dma_wait3A_314 = arith.constant 0 : i32
    %dma_wait3A_315 = tpu.memref_slice %arg3[%dma_wait3A_313, %dma_wait3A_314] : memref<32x1024xf32, #tpu.memory_space<hbm>> -> memref<1x1024xf32, #tpu.memory_space<hbm>>
    %dma_wait3A_316 = arith.constant 0 : i32
    %dma_wait3A_317 = tpu.memref_slice %arg2[%get3A_96, %dma_wait3A_316] : memref<1024x1024xf32, #tpu.memory_space<hbm>> -> memref<1x1024xf32, #tpu.memory_space<hbm>>
    tpu.wait_dma2 semaphore(%arg5 : memref<!tpu.dma_semaphore, #tpu.memory_space<semaphore_mem>>) src(%dma_wait3A_317 : memref<1x1024xf32, #tpu.memory_space<hbm>>) dst(%dma_wait3A_315 : memref<1x1024xf32, #tpu.memory_space<hbm>>)
    %dma_wait3A_318 = arith.constant 13 : i32
    %dma_wait3A_319 = arith.constant 0 : i32
    %dma_wait3A_320 = tpu.memref_slice %arg3[%dma_wait3A_318, %dma_wait3A_319] : memref<32x1024xf32, #tpu.memory_space<hbm>> -> memref<1x1024xf32, #tpu.memory_space<hbm>>
    %dma_wait3A_321 = arith.constant 0 : i32
    %dma_wait3A_322 = tpu.memref_slice %arg2[%get3A_104, %dma_wait3A_321] : memref<1024x1024xf32, #tpu.memory_space<hbm>> -> memref<1x1024xf32, #tpu.memory_space<hbm>>
    tpu.wait_dma2 semaphore(%arg5 : memref<!tpu.dma_semaphore, #tpu.memory_space<semaphore_mem>>) src(%dma_wait3A_322 : memref<1x1024xf32, #tpu.memory_space<hbm>>) dst(%dma_wait3A_320 : memref<1x1024xf32, #tpu.memory_space<hbm>>)
    %dma_wait3A_323 = arith.constant 14 : i32
    %dma_wait3A_324 = arith.constant 0 : i32
    %dma_wait3A_325 = tpu.memref_slice %arg3[%dma_wait3A_323, %dma_wait3A_324] : memref<32x1024xf32, #tpu.memory_space<hbm>> -> memref<1x1024xf32, #tpu.memory_space<hbm>>
    %dma_wait3A_326 = arith.constant 0 : i32
    %dma_wait3A_327 = tpu.memref_slice %arg2[%get3A_112, %dma_wait3A_326] : memref<1024x1024xf32, #tpu.memory_space<hbm>> -> memref<1x1024xf32, #tpu.memory_space<hbm>>
    tpu.wait_dma2 semaphore(%arg5 : memref<!tpu.dma_semaphore, #tpu.memory_space<semaphore_mem>>) src(%dma_wait3A_327 : memref<1x1024xf32, #tpu.memory_space<hbm>>) dst(%dma_wait3A_325 : memref<1x1024xf32, #tpu.memory_space<hbm>>)
    %dma_wait3A_328 = arith.constant 15 : i32
    %dma_wait3A_329 = arith.constant 0 : i32
    %dma_wait3A_330 = tpu.memref_slice %arg3[%dma_wait3A_328, %dma_wait3A_329] : memref<32x1024xf32, #tpu.memory_space<hbm>> -> memref<1x1024xf32, #tpu.memory_space<hbm>>
    %dma_wait3A_331 = arith.constant 0 : i32
    %dma_wait3A_332 = tpu.memref_slice %arg2[%get3A_120, %dma_wait3A_331] : memref<1024x1024xf32, #tpu.memory_space<hbm>> -> memref<1x1024xf32, #tpu.memory_space<hbm>>
    tpu.wait_dma2 semaphore(%arg5 : memref<!tpu.dma_semaphore, #tpu.memory_space<semaphore_mem>>) src(%dma_wait3A_332 : memref<1x1024xf32, #tpu.memory_space<hbm>>) dst(%dma_wait3A_330 : memref<1x1024xf32, #tpu.memory_space<hbm>>)
    %dma_wait3A_333 = arith.constant 16 : i32
    %dma_wait3A_334 = arith.constant 0 : i32
    %dma_wait3A_335 = tpu.memref_slice %arg3[%dma_wait3A_333, %dma_wait3A_334] : memref<32x1024xf32, #tpu.memory_space<hbm>> -> memref<1x1024xf32, #tpu.memory_space<hbm>>
    %dma_wait3A_336 = arith.constant 0 : i32
    %dma_wait3A_337 = tpu.memref_slice %arg2[%get3A_128, %dma_wait3A_336] : memref<1024x1024xf32, #tpu.memory_space<hbm>> -> memref<1x1024xf32, #tpu.memory_space<hbm>>
    tpu.wait_dma2 semaphore(%arg5 : memref<!tpu.dma_semaphore, #tpu.memory_space<semaphore_mem>>) src(%dma_wait3A_337 : memref<1x1024xf32, #tpu.memory_space<hbm>>) dst(%dma_wait3A_335 : memref<1x1024xf32, #tpu.memory_space<hbm>>)
    %dma_wait3A_338 = arith.constant 17 : i32
    %dma_wait3A_339 = arith.constant 0 : i32
    %dma_wait3A_340 = tpu.memref_slice %arg3[%dma_wait3A_338, %dma_wait3A_339] : memref<32x1024xf32, #tpu.memory_space<hbm>> -> memref<1x1024xf32, #tpu.memory_space<hbm>>
    %dma_wait3A_341 = arith.constant 0 : i32
    %dma_wait3A_342 = tpu.memref_slice %arg2[%get3A_136, %dma_wait3A_341] : memref<1024x1024xf32, #tpu.memory_space<hbm>> -> memref<1x1024xf32, #tpu.memory_space<hbm>>
    tpu.wait_dma2 semaphore(%arg5 : memref<!tpu.dma_semaphore, #tpu.memory_space<semaphore_mem>>) src(%dma_wait3A_342 : memref<1x1024xf32, #tpu.memory_space<hbm>>) dst(%dma_wait3A_340 : memref<1x1024xf32, #tpu.memory_space<hbm>>)
    %dma_wait3A_343 = arith.constant 18 : i32
    %dma_wait3A_344 = arith.constant 0 : i32
    %dma_wait3A_345 = tpu.memref_slice %arg3[%dma_wait3A_343, %dma_wait3A_344] : memref<32x1024xf32, #tpu.memory_space<hbm>> -> memref<1x1024xf32, #tpu.memory_space<hbm>>
    %dma_wait3A_346 = arith.constant 0 : i32
    %dma_wait3A_347 = tpu.memref_slice %arg2[%get3A_144, %dma_wait3A_346] : memref<1024x1024xf32, #tpu.memory_space<hbm>> -> memref<1x1024xf32, #tpu.memory_space<hbm>>
    tpu.wait_dma2 semaphore(%arg5 : memref<!tpu.dma_semaphore, #tpu.memory_space<semaphore_mem>>) src(%dma_wait3A_347 : memref<1x1024xf32, #tpu.memory_space<hbm>>) dst(%dma_wait3A_345 : memref<1x1024xf32, #tpu.memory_space<hbm>>)
    %dma_wait3A_348 = arith.constant 19 : i32
    %dma_wait3A_349 = arith.constant 0 : i32
    %dma_wait3A_350 = tpu.memref_slice %arg3[%dma_wait3A_348, %dma_wait3A_349] : memref<32x1024xf32, #tpu.memory_space<hbm>> -> memref<1x1024xf32, #tpu.memory_space<hbm>>
    %dma_wait3A_351 = arith.constant 0 : i32
    %dma_wait3A_352 = tpu.memref_slice %arg2[%get3A_152, %dma_wait3A_351] : memref<1024x1024xf32, #tpu.memory_space<hbm>> -> memref<1x1024xf32, #tpu.memory_space<hbm>>
    tpu.wait_dma2 semaphore(%arg5 : memref<!tpu.dma_semaphore, #tpu.memory_space<semaphore_mem>>) src(%dma_wait3A_352 : memref<1x1024xf32, #tpu.memory_space<hbm>>) dst(%dma_wait3A_350 : memref<1x1024xf32, #tpu.memory_space<hbm>>)
    %dma_wait3A_353 = arith.constant 20 : i32
    %dma_wait3A_354 = arith.constant 0 : i32
    %dma_wait3A_355 = tpu.memref_slice %arg3[%dma_wait3A_353, %dma_wait3A_354] : memref<32x1024xf32, #tpu.memory_space<hbm>> -> memref<1x1024xf32, #tpu.memory_space<hbm>>
    %dma_wait3A_356 = arith.constant 0 : i32
    %dma_wait3A_357 = tpu.memref_slice %arg2[%get3A_160, %dma_wait3A_356] : memref<1024x1024xf32, #tpu.memory_space<hbm>> -> memref<1x1024xf32, #tpu.memory_space<hbm>>
    tpu.wait_dma2 semaphore(%arg5 : memref<!tpu.dma_semaphore, #tpu.memory_space<semaphore_mem>>) src(%dma_wait3A_357 : memref<1x1024xf32, #tpu.memory_space<hbm>>) dst(%dma_wait3A_355 : memref<1x1024xf32, #tpu.memory_space<hbm>>)
    %dma_wait3A_358 = arith.constant 21 : i32
    %dma_wait3A_359 = arith.constant 0 : i32
    %dma_wait3A_360 = tpu.memref_slice %arg3[%dma_wait3A_358, %dma_wait3A_359] : memref<32x1024xf32, #tpu.memory_space<hbm>> -> memref<1x1024xf32, #tpu.memory_space<hbm>>
    %dma_wait3A_361 = arith.constant 0 : i32
    %dma_wait3A_362 = tpu.memref_slice %arg2[%get3A_168, %dma_wait3A_361] : memref<1024x1024xf32, #tpu.memory_space<hbm>> -> memref<1x1024xf32, #tpu.memory_space<hbm>>
    tpu.wait_dma2 semaphore(%arg5 : memref<!tpu.dma_semaphore, #tpu.memory_space<semaphore_mem>>) src(%dma_wait3A_362 : memref<1x1024xf32, #tpu.memory_space<hbm>>) dst(%dma_wait3A_360 : memref<1x1024xf32, #tpu.memory_space<hbm>>)
    %dma_wait3A_363 = arith.constant 22 : i32
    %dma_wait3A_364 = arith.constant 0 : i32
    %dma_wait3A_365 = tpu.memref_slice %arg3[%dma_wait3A_363, %dma_wait3A_364] : memref<32x1024xf32, #tpu.memory_space<hbm>> -> memref<1x1024xf32, #tpu.memory_space<hbm>>
    %dma_wait3A_366 = arith.constant 0 : i32
    %dma_wait3A_367 = tpu.memref_slice %arg2[%get3A_176, %dma_wait3A_366] : memref<1024x1024xf32, #tpu.memory_space<hbm>> -> memref<1x1024xf32, #tpu.memory_space<hbm>>
    tpu.wait_dma2 semaphore(%arg5 : memref<!tpu.dma_semaphore, #tpu.memory_space<semaphore_mem>>) src(%dma_wait3A_367 : memref<1x1024xf32, #tpu.memory_space<hbm>>) dst(%dma_wait3A_365 : memref<1x1024xf32, #tpu.memory_space<hbm>>)
    %dma_wait3A_368 = arith.constant 23 : i32
    %dma_wait3A_369 = arith.constant 0 : i32
    %dma_wait3A_370 = tpu.memref_slice %arg3[%dma_wait3A_368, %dma_wait3A_369] : memref<32x1024xf32, #tpu.memory_space<hbm>> -> memref<1x1024xf32, #tpu.memory_space<hbm>>
    %dma_wait3A_371 = arith.constant 0 : i32
    %dma_wait3A_372 = tpu.memref_slice %arg2[%get3A_184, %dma_wait3A_371] : memref<1024x1024xf32, #tpu.memory_space<hbm>> -> memref<1x1024xf32, #tpu.memory_space<hbm>>
    tpu.wait_dma2 semaphore(%arg5 : memref<!tpu.dma_semaphore, #tpu.memory_space<semaphore_mem>>) src(%dma_wait3A_372 : memref<1x1024xf32, #tpu.memory_space<hbm>>) dst(%dma_wait3A_370 : memref<1x1024xf32, #tpu.memory_space<hbm>>)
    %dma_wait3A_373 = arith.constant 24 : i32
    %dma_wait3A_374 = arith.constant 0 : i32
    %dma_wait3A_375 = tpu.memref_slice %arg3[%dma_wait3A_373, %dma_wait3A_374] : memref<32x1024xf32, #tpu.memory_space<hbm>> -> memref<1x1024xf32, #tpu.memory_space<hbm>>
    %dma_wait3A_376 = arith.constant 0 : i32
    %dma_wait3A_377 = tpu.memref_slice %arg2[%get3A_192, %dma_wait3A_376] : memref<1024x1024xf32, #tpu.memory_space<hbm>> -> memref<1x1024xf32, #tpu.memory_space<hbm>>
    tpu.wait_dma2 semaphore(%arg5 : memref<!tpu.dma_semaphore, #tpu.memory_space<semaphore_mem>>) src(%dma_wait3A_377 : memref<1x1024xf32, #tpu.memory_space<hbm>>) dst(%dma_wait3A_375 : memref<1x1024xf32, #tpu.memory_space<hbm>>)
    %dma_wait3A_378 = arith.constant 25 : i32
    %dma_wait3A_379 = arith.constant 0 : i32
    %dma_wait3A_380 = tpu.memref_slice %arg3[%dma_wait3A_378, %dma_wait3A_379] : memref<32x1024xf32, #tpu.memory_space<hbm>> -> memref<1x1024xf32, #tpu.memory_space<hbm>>
    %dma_wait3A_381 = arith.constant 0 : i32
    %dma_wait3A_382 = tpu.memref_slice %arg2[%get3A_200, %dma_wait3A_381] : memref<1024x1024xf32, #tpu.memory_space<hbm>> -> memref<1x1024xf32, #tpu.memory_space<hbm>>
    tpu.wait_dma2 semaphore(%arg5 : memref<!tpu.dma_semaphore, #tpu.memory_space<semaphore_mem>>) src(%dma_wait3A_382 : memref<1x1024xf32, #tpu.memory_space<hbm>>) dst(%dma_wait3A_380 : memref<1x1024xf32, #tpu.memory_space<hbm>>)
    %dma_wait3A_383 = arith.constant 26 : i32
    %dma_wait3A_384 = arith.constant 0 : i32
    %dma_wait3A_385 = tpu.memref_slice %arg3[%dma_wait3A_383, %dma_wait3A_384] : memref<32x1024xf32, #tpu.memory_space<hbm>> -> memref<1x1024xf32, #tpu.memory_space<hbm>>
    %dma_wait3A_386 = arith.constant 0 : i32
    %dma_wait3A_387 = tpu.memref_slice %arg2[%get3A_208, %dma_wait3A_386] : memref<1024x1024xf32, #tpu.memory_space<hbm>> -> memref<1x1024xf32, #tpu.memory_space<hbm>>
    tpu.wait_dma2 semaphore(%arg5 : memref<!tpu.dma_semaphore, #tpu.memory_space<semaphore_mem>>) src(%dma_wait3A_387 : memref<1x1024xf32, #tpu.memory_space<hbm>>) dst(%dma_wait3A_385 : memref<1x1024xf32, #tpu.memory_space<hbm>>)
    %dma_wait3A_388 = arith.constant 27 : i32
    %dma_wait3A_389 = arith.constant 0 : i32
    %dma_wait3A_390 = tpu.memref_slice %arg3[%dma_wait3A_388, %dma_wait3A_389] : memref<32x1024xf32, #tpu.memory_space<hbm>> -> memref<1x1024xf32, #tpu.memory_space<hbm>>
    %dma_wait3A_391 = arith.constant 0 : i32
    %dma_wait3A_392 = tpu.memref_slice %arg2[%get3A_216, %dma_wait3A_391] : memref<1024x1024xf32, #tpu.memory_space<hbm>> -> memref<1x1024xf32, #tpu.memory_space<hbm>>
    tpu.wait_dma2 semaphore(%arg5 : memref<!tpu.dma_semaphore, #tpu.memory_space<semaphore_mem>>) src(%dma_wait3A_392 : memref<1x1024xf32, #tpu.memory_space<hbm>>) dst(%dma_wait3A_390 : memref<1x1024xf32, #tpu.memory_space<hbm>>)
    %dma_wait3A_393 = arith.constant 28 : i32
    %dma_wait3A_394 = arith.constant 0 : i32
    %dma_wait3A_395 = tpu.memref_slice %arg3[%dma_wait3A_393, %dma_wait3A_394] : memref<32x1024xf32, #tpu.memory_space<hbm>> -> memref<1x1024xf32, #tpu.memory_space<hbm>>
    %dma_wait3A_396 = arith.constant 0 : i32
    %dma_wait3A_397 = tpu.memref_slice %arg2[%get3A_224, %dma_wait3A_396] : memref<1024x1024xf32, #tpu.memory_space<hbm>> -> memref<1x1024xf32, #tpu.memory_space<hbm>>
    tpu.wait_dma2 semaphore(%arg5 : memref<!tpu.dma_semaphore, #tpu.memory_space<semaphore_mem>>) src(%dma_wait3A_397 : memref<1x1024xf32, #tpu.memory_space<hbm>>) dst(%dma_wait3A_395 : memref<1x1024xf32, #tpu.memory_space<hbm>>)
    %dma_wait3A_398 = arith.constant 29 : i32
    %dma_wait3A_399 = arith.constant 0 : i32
    %dma_wait3A_400 = tpu.memref_slice %arg3[%dma_wait3A_398, %dma_wait3A_399] : memref<32x1024xf32, #tpu.memory_space<hbm>> -> memref<1x1024xf32, #tpu.memory_space<hbm>>
    %dma_wait3A_401 = arith.constant 0 : i32
    %dma_wait3A_402 = tpu.memref_slice %arg2[%get3A_232, %dma_wait3A_401] : memref<1024x1024xf32, #tpu.memory_space<hbm>> -> memref<1x1024xf32, #tpu.memory_space<hbm>>
    tpu.wait_dma2 semaphore(%arg5 : memref<!tpu.dma_semaphore, #tpu.memory_space<semaphore_mem>>) src(%dma_wait3A_402 : memref<1x1024xf32, #tpu.memory_space<hbm>>) dst(%dma_wait3A_400 : memref<1x1024xf32, #tpu.memory_space<hbm>>)
    %dma_wait3A_403 = arith.constant 30 : i32
    %dma_wait3A_404 = arith.constant 0 : i32
    %dma_wait3A_405 = tpu.memref_slice %arg3[%dma_wait3A_403, %dma_wait3A_404] : memref<32x1024xf32, #tpu.memory_space<hbm>> -> memref<1x1024xf32, #tpu.memory_space<hbm>>
    %dma_wait3A_406 = arith.constant 0 : i32
    %dma_wait3A_407 = tpu.memref_slice %arg2[%get3A_240, %dma_wait3A_406] : memref<1024x1024xf32, #tpu.memory_space<hbm>> -> memref<1x1024xf32, #tpu.memory_space<hbm>>
    tpu.wait_dma2 semaphore(%arg5 : memref<!tpu.dma_semaphore, #tpu.memory_space<semaphore_mem>>) src(%dma_wait3A_407 : memref<1x1024xf32, #tpu.memory_space<hbm>>) dst(%dma_wait3A_405 : memref<1x1024xf32, #tpu.memory_space<hbm>>)
    %dma_wait3A_408 = arith.constant 31 : i32
    %dma_wait3A_409 = arith.constant 0 : i32
    %dma_wait3A_410 = tpu.memref_slice %arg3[%dma_wait3A_408, %dma_wait3A_409] : memref<32x1024xf32, #tpu.memory_space<hbm>> -> memref<1x1024xf32, #tpu.memory_space<hbm>>
    %dma_wait3A_411 = arith.constant 0 : i32
    %dma_wait3A_412 = tpu.memref_slice %arg2[%get3A_248, %dma_wait3A_411] : memref<1024x1024xf32, #tpu.memory_space<hbm>> -> memref<1x1024xf32, #tpu.memory_space<hbm>>
    tpu.wait_dma2 semaphore(%arg5 : memref<!tpu.dma_semaphore, #tpu.memory_space<semaphore_mem>>) src(%dma_wait3A_412 : memref<1x1024xf32, #tpu.memory_space<hbm>>) dst(%dma_wait3A_410 : memref<1x1024xf32, #tpu.memory_space<hbm>>)
    return
  }
}

module attributes {stable_mosaic.version = 14 : i64} {
  func.func @body(%arg0: i32, %arg1: memref<32x1024xf32, #tpu.memory_space<vmem>>, %arg2: memref<32x1xf32, #tpu.memory_space<vmem>>, %arg3: memref<1x32x32x1024xf32, #tpu.memory_space<vmem>>) attributes {dimension_semantics = [#tpu.dimension_semantics<arbitrary>], iteration_bounds = array<i64: 32>, scalar_prefetch = 0 : i64, scratch_operands = 0 : i64, tpu.core_type = #tpu.core_type<tc>, window_params = [{pipeline_mode = #tpu.pipeline_mode<synchronous>, transform_indices = @transform_0, window_bounds = array<i64: 32, 1024>}, {transform_indices = @transform_1, window_bounds = array<i64: 32, 1>}, {transform_indices = @transform_2, window_bounds = array<i64: 1, 32, 32, 1024>}]} {
    %get3A = arith.constant 0 : index
    %get3A_0 = arith.constant 0 : index
    %get3A_1 = vector.load %arg1[%get3A, %get3A_0] : memref<32x1024xf32, #tpu.memory_space<vmem>>, vector<32x1024xf32>
    %broadcast_in_dim3A = vector.shape_cast %get3A_1 : vector<32x1024xf32> to vector<1x1x32x1024xf32>
    %get3A_2 = arith.constant 0 : index
    %get3A_3 = arith.constant 0 : index
    %get3A_4 = vector.load %arg2[%get3A_2, %get3A_3] : memref<32x1xf32, #tpu.memory_space<vmem>>, vector<32x1xf32>
    %broadcast_in_dim3A_5 = vector.shape_cast %get3A_4 : vector<32x1xf32> to vector<1x32x1x1xf32>
    %add3A = vector.broadcast %broadcast_in_dim3A : vector<1x1x32x1024xf32> to vector<1x32x32x1024xf32>
    %add3A_6 = vector.broadcast %broadcast_in_dim3A_5 : vector<1x32x1x1xf32> to vector<1x32x32x1024xf32>
    %add3A_7 = arith.addf %add3A, %add3A_6 : vector<1x32x32x1024xf32>
    %swap3A = arith.constant 0 : index
    %swap3A_8 = arith.constant 0 : index
    %swap3A_9 = arith.constant 0 : index
    %swap3A_10 = arith.constant 0 : index
    %swap3A_11 = vector.load %arg3[%swap3A, %swap3A_8, %swap3A_9, %swap3A_10] : memref<1x32x32x1024xf32, #tpu.memory_space<vmem>>, vector<1x32x32x1024xf32>
    tpu.vector_store %arg3[%swap3A, %swap3A_8, %swap3A_9, %swap3A_10], %add3A_7 {strides = array<i32>} : memref<1x32x32x1024xf32, #tpu.memory_space<vmem>>, vector<1x32x32x1024xf32>,
    return
  }
  func.func @transform_0(%arg0: i32) -> (i32, i32) {
    %c0_i32 = arith.constant 0 : i32
    %c0_i32_0 = arith.constant 0 : i32
    %c0_i32_1 = arith.constant 0 : i32
    return %c0_i32, %c0_i32_0 : i32, i32
  }
  func.func @transform_1(%arg0: i32) -> (i32, i32) {
    %c0_i32 = arith.constant 0 : i32
    %c0_i32_0 = arith.constant 0 : i32
    return %arg0, %c0_i32 : i32, i32
  }
  func.func @transform_2(%arg0: i32) -> (i32, i32, i32, i32) {
    %c0_i32 = arith.constant 0 : i32
    %c0_i32_0 = arith.constant 0 : i32
    %c0_i32_1 = arith.constant 0 : i32
    %c0_i32_2 = arith.constant 0 : i32
    return %c0_i32, %arg0, %c0_i32_0, %c0_i32_1 : i32, i32, i32, i32
  }
}

</mosaic_0001>

<sc_bundles>
// kernel: kernel.4.cloned.1.call-start
scs
__scs_entry_jumppad:
0x0: {  	(pc) =	sbr.rel $0x88, $3  }
0x1: {  	(tag) =	ssettag $0x0;
	lr =	simm.s32 $0x1  }
0x2: {  	[smem:$0x3F9E] =	sst lr;
	_ =	strace $0xD0000000  }
0x3: {  	_ = 	snop  }
0x4: {  	_ = 	snop  }
0x5: {  	_ = 	snop  }
0x6: {  	_ = 	snop  }
0x7: {  	_ = 	snop  }
__scs_overlays_trampoline_lowered:
0x8: {  	[smem:$0x3FAD] =	sst s0  }
0x9: {  	[smem:$0x3FAE] =	sst s1  }
0xa: {  	[smem:$0x3FAF] =	sst s2  }
0xb: {  	[smem:$0x3FB0] =	sst s3  }
0xc: {  	[smem:$0x3FB1] =	sst s4  }
0xd: {  	[smem:$0x3FB2] =	sst s5  }
0xe: {  	[smem:$0x3FB3] =	sst s6  }
0xf: {  	[smem:$0x3FB4] =	sst s7  }
0x10: {  	[smem:$0x3FB5] =	sst s8  }
0x11: {  	[smem:$0x3FB6] =	sst s9;
	s0 =	simm.s32 @!p0 $0x0  }
0x12: {  	s1 =	sld [smem:$0x3F9C];
	s0 =	simm.s32 @p0 $0x1  }
0x13: {  	[smem:$0x3FB7] =	sst s0;
	s0 =	simm.s32 @!p1 $0x0  }
0x14: {  	s2 =	sld [smem:$0x3F9B];
	s0 =	simm.s32 @p1 $0x1  }
0x15: {  	[smem:$0x3FB8] =	sst s0;
	s0 =	simm.s32 @!p2 $0x0  }
0x16: {  	s3 =	sld [smem:$0x3FDB];
	s0 =	simm.s32 @p2 $0x1  }
0x17: {  	s4 =	simm.s32 $0x1BF5;
	[smem:$0x3FBA] =	sst s0  }
0x18: {  	s0 =	sld [smem:$0x3F9D];
	_ =	swait.ge [sflag:s4], $0x0  }
0x19: {  	s7 =	sld [smem:$0x3F9E]  }
0x1a: {  	s8 =	sadd.s32 $0xFFFFE003, lr  }
0x1b: {  	s9 =	sadd.s32 $0xFFFFFEF7, lr;
	s5 =	simm.s32 $0xFFFFFFFF;
	p2 =	slt.u32 s8, $0xFFFFF086  }
0x1c: {  	p1 =	slt.u32 s9, $0xF7A;
	s5 =	simm.s32 @!p2 $0x0  }
0x1d: {  	s5 =	simm.s32 @p1 $0x1;
	p0 =	seq.s32 s7, s2  }
0x1e: {  	s7 =	smul.u32 @!p0 $0xF7A, s2;
	p2 =	seq.s32 @!p0 s5, $0x0  }
0x1f: {  	s9 =	smul.u32 $0xF7A, s1;
	s8 =	simm.s32 @!p0 $0x1BF5;
	p2 =	por !p2, p0  }
0x20: {  	[sflag:s8] =	ssyncset.s32 @!p0 $0xFFFFF086;
	s6 =	sadd.s32 @!p0 s3, s7;
	s7 =	simm.s32 @!p0 $0x108  }
0x21: {  	s3 =	sadd.s32 s3, s9;
	s6 =	sadd.s32 @!p0 $0x88, s6;
	s7 =	simm.s32 @p2 $0x1082  }
0x22: {  	[simem:s7], [sflag:s8] =	dma.local @!p0 [hbm:s6], $0xF7A  }
0x23: {  	s9 =	sor.u32 $0xD0000000, s2;
	s6 =	simm.s32 $0x108;
	_ =	swait.ge @!p0 [sflag:s8], $0x0  }
0x24: {  	s3 =	sadd.s32 $0x88, s3;
	s6 =	simm.s32 @!p1 $0x1082;
	[sflag:s4] =	ssyncset.s32 $0xFFFFF086  }
0x25: {  	[simem:s6], [sflag:s4] =	dma.local [hbm:s3], $0xF7A  }
0x26: {  	[smem:$0x3F9E] =	sst s1;
	(tag) =	ssettag s2;
	_ =	strace s9  }
0x27: {  	s1 =	sld [smem:$0x3FAE]  }
0x28: {  	s2 =	sld [smem:$0x3FAF]  }
0x29: {  	s4 =	sld [smem:$0x3FB1]  }
0x2a: {  	p0 =	seq.s32 s5, $0x0;
	s5 =	sld [smem:$0x3FB2]  }
0x2b: {  	s6 =	sld [smem:$0x3FB3]  }
0x2c: {  	s7 =	sld [smem:$0x3FB4]  }
0x2d: {  	s3 =	simm.s32 $0x108;
	s8 =	sld [smem:$0x3FB5]  }
0x2e: {  	s3 =	simm.s32 @!p0 $0x1082;
	s9 =	sld [smem:$0x3FB6]  }
0x2f: {  	lr =	sadd.s32 s0, s3;
	s0 =	sld [smem:$0x3FAD]  }
0x30: {  	s3 =	sld [smem:$0x3FB0]  }
0x31: {  	[smem:$0x3FB9] =	sst s10  }
0x32: {  	s10 =	sld [smem:$0x3FB7];
	_ =	sdelay $0x3  }
0x33: {  	p0 =	seq.s32 s10, $0x1;
	s10 =	sld [smem:$0x3FB9];
	_ =	sdelay $0x3  }
0x34: {  	[smem:$0x3FB9] =	sst s10  }
0x35: {  	s10 =	sld [smem:$0x3FB8];
	_ =	sdelay $0x3  }
0x36: {  	p1 =	seq.s32 s10, $0x1;
	s10 =	sld [smem:$0x3FB9];
	_ =	sdelay $0x3  }
0x37: {  	[smem:$0x3FB9] =	sst s10  }
0x38: {  	s10 =	sld [smem:$0x3FBA]  }
0x39: {  	_ = 	snop;
	(pc) =	sbr.ind lr, $3  }
0x3a: {  	_ = 	snop  }
0x3b: {  	_ = 	snop  }
0x3c: {  	p2 =	seq.s32 s10, $0x1;
	s10 =	sld [smem:$0x3FB9]  }
0x3d: {  	_ =	shalt  }
0x3e: {  	_ =	shalt  }
0x3f: {  	_ =	shalt  }
0x40: {  	_ =	shalt  }
0x41: {  	_ =	shalt  }
0x42: {  	_ =	shalt  }
0x43: {  	_ =	shalt  }
0x44: {  	_ =	shalt  }
0x45: {  	_ =	shalt  }
0x46: {  	_ =	shalt  }
0x47: {  	_ =	shalt  }
0x48: {  	_ =	shalt  }
0x49: {  	_ =	shalt  }
0x4a: {  	_ =	shalt  }
0x4b: {  	_ =	shalt  }
0x4c: {  	_ =	shalt  }
0x4d: {  	_ =	shalt  }
0x4e: {  	_ =	shalt  }
0x4f: {  	_ =	shalt  }
0x50: {  	_ =	shalt  }
0x51: {  	_ =	shalt  }
0x52: {  	_ =	shalt  }
0x53: {  	_ =	shalt  }
0x54: {  	_ =	shalt  }
0x55: {  	_ =	shalt  }
0x56: {  	_ =	shalt  }
0x57: {  	_ =	shalt  }
0x58: {  	_ =	shalt  }
0x59: {  	_ =	shalt  }
0x5a: {  	_ =	shalt  }
0x5b: {  	_ =	shalt  }
0x5c: {  	_ =	shalt  }
0x5d: {  	_ =	shalt  }
0x5e: {  	_ =	shalt  }
0x5f: {  	_ =	shalt  }
0x60: {  	_ =	shalt  }
0x61: {  	_ =	shalt  }
0x62: {  	_ =	shalt  }
0x63: {  	_ =	shalt  }
0x64: {  	_ =	shalt  }
0x65: {  	_ =	shalt  }
0x66: {  	_ =	shalt  }
0x67: {  	_ =	shalt  }
0x68: {  	_ =	shalt  }
0x69: {  	_ =	shalt  }
0x6a: {  	_ =	shalt  }
0x6b: {  	_ =	shalt  }
0x6c: {  	_ =	shalt  }
0x6d: {  	_ =	shalt  }
0x6e: {  	_ =	shalt  }
0x6f: {  	_ =	shalt  }
0x70: {  	_ =	shalt  }
0x71: {  	_ =	shalt  }
0x72: {  	_ =	shalt  }
0x73: {  	_ =	shalt  }
0x74: {  	_ =	shalt  }
0x75: {  	_ =	shalt  }
0x76: {  	_ =	shalt  }
0x77: {  	_ =	shalt  }
0x78: {  	_ =	shalt  }
0x79: {  	_ =	shalt  }
0x7a: {  	_ =	shalt  }
0x7b: {  	_ =	shalt  }
0x7c: {  	_ =	shalt  }
0x7d: {  	_ =	shalt  }
0x7e: {  	_ =	shalt  }
0x7f: {  	_ =	shalt  }
0x80: {  	_ =	shalt  }
0x81: {  	_ =	shalt  }
0x82: {  	_ =	shalt  }
0x83: {  	_ =	shalt  }
0x84: {  	_ =	shalt  }
0x85: {  	_ =	shalt  }
0x86: {  	_ =	shalt  }
0x87: {  	_ =	shalt  }
.Lfunc_end0:
.L_simem_size_0:
called_computation_lowered:
.L_overlay_start_0:
0x88: {  	s0 =	sld [smem:$0x3FD9]  }
0x89: {  	s1 =	sld [smem:$0x3FFE];
	_ =	sdelay $0x3  }
0x8a: {  	s0 =	sadd.s32 s1, s0  }
0x8b: {  	s3 =	simm.s32 $0x0;
	[smem:$0x3FC5] =	sst s0  }
0x8c: {  	[smem:$0xF] =	sst s3  }
0x8d: {  	s0 =	sld [smem:$0x3FC9]  }
0x8e: {  	s1 =	sld [smem:$0x3FC8]  }
0x8f: {  	s2 =	sld [smem:$0x3FD0];
	(tm) =	ssettm $0x1  }
0x90: {  	s9 =	sld [smem:$0x3FFB];
	_ =	sdelay $0x3  }
0x91: {  	_ =	strace s9  }
0x92: {  	s3 =	sld [smem:$0x3FFC];
	_ =	sdelay $0x3  }
0x93: {  	_ =	strace s3  }
0x94: {  	s3 =	sld [smem:$0x3FFD];
	_ =	sdelay $0x3  }
0x95: {  	_ =	strace s3  }
0x96: {  	s10 =	simm.s32 $0x1B8B;
	_ =	strace $0x8FFFFFFF  }
0x97: {  	_ =	swait.ge [sflag:s10], $0x1  }
0x98: {  	[sflag:s10] =	ssyncset.done $0x0  }
0x99: {  	s11 =	simm.s32 $0x1B8E;
	[sflag:s10] =	ssyncadd.s32 $0xFFFFFFFF  }
0x9a: {  	[smem:$0x3FD2] =	sst s11  }
0x9b: {  	s12 =	simm.s32 $0xA;
	s4 =	simm.s32 $0x10;
	_ =	strace $0x80000046  }
0x9c: {  	[smem:s4], [sflag:s12] =	dma.local [hbm:s0], $0x10  }
0x9d: {  	_ =	swait.ge [sflag:s12], $0x10  }
0x9e: {  	[sflag:s12] =	ssyncset.done $0x0  }
0x9f: {  	[sflag:s12] =	ssyncadd.s32 $0xFFFFFFF0  }
0xa0: {  	s13 =	sld [smem:$0x10];
	_ =	sdelay $0x3  }
0xa1: {  	s14 =	sshll.u32 s13, $0xA;
	s0 =	sshll.u32 s13, $0x7  }
0xa2: {  	s3 =	sand.u32 $0xFFFFE000, s14;
	s0 =	sand.u32 $0x380, s0  }
0xa3: {  	s0 =	sor.u32 s0, s3  }
0xa4: {  	s4 =	simm.s32 $0x80;
	s0 =	sshrl.u32 s0, $0x3  }
0xa5: {  	s3 =	simm.s32 $0x1;
	s5 =	sadd.s32 s1, s0;
	s0 =	simm.s32 $0x9  }
0xa6: {  	[hbm:s2@s4], [sflag:s0] =	dma.strided [hbm:s5@s4], $0x80, s3, $0x10   }
0xa7: {  	s5 =	sld [smem:$0x11];
	_ =	sdelay $0x3  }
0xa8: {  	s6 =	sshll.u32 s5, $0xA;
	s5 =	sshll.u32 s5, $0x7  }
0xa9: {  	s6 =	sand.u32 $0xFFFFE000, s6;
	s5 =	sand.u32 $0x380, s5  }
0xaa: {  	s5 =	sor.u32 s5, s6  }
0xab: {  	s5 =	sshrl.u32 s5, $0x3  }
0xac: {  	s15 =	sadd.s32 $0x10, s2;
	s5 =	sadd.s32 s1, s5  }
0xad: {  	[hbm:s15@s4], [sflag:s0] =	dma.strided [hbm:s5@s4], $0x80, s3, $0x10   }
0xae: {  	s5 =	sld [smem:$0x12];
	_ =	sdelay $0x3  }
0xaf: {  	s16 =	sshll.u32 s5, $0xA;
	s5 =	sshll.u32 s5, $0x7  }
0xb0: {  	s6 =	sand.u32 $0xFFFFE000, s16;
	s5 =	sand.u32 $0x380, s5  }
0xb1: {  	s5 =	sor.u32 s5, s6  }
0xb2: {  	s5 =	sshrl.u32 s5, $0x3  }
0xb3: {  	s17 =	sadd.s32 $0x20, s2;
	s5 =	sadd.s32 s1, s5  }
0xb4: {  	[hbm:s17@s4], [sflag:s0] =	dma.strided [hbm:s5@s4], $0x80, s3, $0x10   }
0xb5: {  	s5 =	sld [smem:$0x13];
	_ =	sdelay $0x3  }
0xb6: {  	s18 =	sshll.u32 s5, $0xA;
	s5 =	sshll.u32 s5, $0x7  }
0xb7: {  	s6 =	sand.u32 $0xFFFFE000, s18;
	s5 =	sand.u32 $0x380, s5  }
0xb8: {  	s5 =	sor.u32 s5, s6  }
0xb9: {  	s5 =	sshrl.u32 s5, $0x3  }
0xba: {  	s19 =	sadd.s32 $0x30, s2;
	s5 =	sadd.s32 s1, s5  }
0xbb: {  	[hbm:s19@s4], [sflag:s0] =	dma.strided [hbm:s5@s4], $0x80, s3, $0x10   }
0xbc: {  	s5 =	sld [smem:$0x14];
	_ =	sdelay $0x3  }
0xbd: {  	s20 =	sshll.u32 s5, $0xA;
	s5 =	sshll.u32 s5, $0x7  }
0xbe: {  	s6 =	sand.u32 $0xFFFFE000, s20;
	s5 =	sand.u32 $0x380, s5  }
0xbf: {  	s5 =	sor.u32 s5, s6  }
0xc0: {  	s5 =	sshrl.u32 s5, $0x3  }
0xc1: {  	s21 =	sadd.s32 $0x40, s2;
	s5 =	sadd.s32 s1, s5  }
0xc2: {  	[hbm:s21@s4], [sflag:s0] =	dma.strided [hbm:s5@s4], $0x80, s3, $0x10   }
0xc3: {  	s5 =	sld [smem:$0x15];
	_ =	sdelay $0x3  }
0xc4: {  	s22 =	sshll.u32 s5, $0xA;
	s5 =	sshll.u32 s5, $0x7  }
0xc5: {  	s6 =	sand.u32 $0xFFFFE000, s22;
	s5 =	sand.u32 $0x380, s5  }
0xc6: {  	s5 =	sor.u32 s5, s6  }
0xc7: {  	s5 =	sshrl.u32 s5, $0x3  }
0xc8: {  	s23 =	sadd.s32 $0x50, s2;
	s5 =	sadd.s32 s1, s5  }
0xc9: {  	[hbm:s23@s4], [sflag:s0] =	dma.strided [hbm:s5@s4], $0x80, s3, $0x10   }
0xca: {  	s5 =	sld [smem:$0x16];
	_ =	sdelay $0x3  }
0xcb: {  	s24 =	sshll.u32 s5, $0xA;
	s5 =	sshll.u32 s5, $0x7  }
0xcc: {  	s6 =	sand.u32 $0xFFFFE000, s24;
	s5 =	sand.u32 $0x380, s5  }
0xcd: {  	s5 =	sor.u32 s5, s6  }
0xce: {  	s5 =	sshrl.u32 s5, $0x3  }
0xcf: {  	s25 =	sadd.s32 $0x60, s2;
	s5 =	sadd.s32 s1, s5  }
0xd0: {  	[hbm:s25@s4], [sflag:s0] =	dma.strided [hbm:s5@s4], $0x80, s3, $0x10   }
0xd1: {  	s5 =	sld [smem:$0x17];
	_ =	sdelay $0x3  }
0xd2: {  	s26 =	sshll.u32 s5, $0xA;
	s5 =	sshll.u32 s5, $0x7  }
0xd3: {  	s6 =	sand.u32 $0xFFFFE000, s26;
	s5 =	sand.u32 $0x380, s5  }
0xd4: {  	s5 =	sor.u32 s5, s6  }
0xd5: {  	s5 =	sshrl.u32 s5, $0x3  }
0xd6: {  	s28 =	sadd.s32 $0x70, s2;
	s5 =	sadd.s32 s1, s5  }
0xd7: {  	[hbm:s28@s4], [sflag:s0] =	dma.strided [hbm:s5@s4], $0x80, s3, $0x10   }
0xd8: {  	s5 =	sld [smem:$0x18];
	_ =	sdelay $0x3  }
0xd9: {  	s29 =	sshll.u32 s5, $0xA;
	s5 =	sshll.u32 s5, $0x7  }
0xda: {  	s6 =	sand.u32 $0xFFFFE000, s29;
	s5 =	sand.u32 $0x380, s5  }
0xdb: {  	s5 =	sor.u32 s5, s6  }
0xdc: {  	s5 =	sshrl.u32 s5, $0x3  }
0xdd: {  	s30 =	sadd.s32 $0x400, s2;
	s5 =	sadd.s32 s1, s5  }
0xde: {  	[hbm:s30@s4], [sflag:s0] =	dma.strided [hbm:s5@s4], $0x80, s3, $0x10   }
0xdf: {  	s5 =	sld [smem:$0x19];
	_ =	sdelay $0x3  }
0xe0: {  	s31 =	sshll.u32 s5, $0xA;
	s5 =	sshll.u32 s5, $0x7  }
0xe1: {  	s6 =	sand.u32 $0xFFFFE000, s31;
	s5 =	sand.u32 $0x380, s5  }
0xe2: {  	s5 =	sor.u32 s5, s6  }
0xe3: {  	s5 =	sshrl.u32 s5, $0x3  }
0xe4: {  	s7 =	sadd.s32 $0x410, s2;
	s5 =	sadd.s32 s1, s5  }
0xe5: {  	[hbm:s7@s4], [sflag:s0] =	dma.strided [hbm:s5@s4], $0x80, s3, $0x10   }
0xe6: {  	s5 =	sld [smem:$0x1A];
	_ =	sdelay $0x3  }
0xe7: {  	s8 =	sshll.u32 s5, $0xA;
	s5 =	sshll.u32 s5, $0x7  }
0xe8: {  	s6 =	sand.u32 $0xFFFFE000, s8;
	s5 =	sand.u32 $0x380, s5  }
0xe9: {  	s5 =	sor.u32 s5, s6  }
0xea: {  	s5 =	sshrl.u32 s5, $0x3  }
0xeb: {  	s9 =	sadd.s32 $0x420, s2;
	s5 =	sadd.s32 s1, s5  }
0xec: {  	[hbm:s9@s4], [sflag:s0] =	dma.strided [hbm:s5@s4], $0x80, s3, $0x10   }
0xed: {  	s5 =	sld [smem:$0x1B];
	_ =	sdelay $0x3  }
0xee: {  	s10 =	sshll.u32 s5, $0xA;
	s5 =	sshll.u32 s5, $0x7  }
0xef: {  	s6 =	sand.u32 $0xFFFFE000, s10;
	s5 =	sand.u32 $0x380, s5  }
0xf0: {  	s5 =	sor.u32 s5, s6  }
0xf1: {  	s5 =	sshrl.u32 s5, $0x3  }
0xf2: {  	s11 =	sadd.s32 $0x430, s2;
	s5 =	sadd.s32 s1, s5  }
0xf3: {  	[hbm:s11@s4], [sflag:s0] =	dma.strided [hbm:s5@s4], $0x80, s3, $0x10   }
0xf4: {  	s5 =	sld [smem:$0x1C];
	_ =	sdelay $0x3  }
0xf5: {  	s12 =	sshll.u32 s5, $0xA;
	s5 =	sshll.u32 s5, $0x7  }
0xf6: {  	s6 =	sand.u32 $0xFFFFE000, s12;
	s5 =	sand.u32 $0x380, s5  }
0xf7: {  	s5 =	sor.u32 s5, s6  }
0xf8: {  	s5 =	sshrl.u32 s5, $0x3  }
0xf9: {  	s13 =	sadd.s32 $0x440, s2;
	s5 =	sadd.s32 s1, s5  }
0xfa: {  	[hbm:s13@s4], [sflag:s0] =	dma.strided [hbm:s5@s4], $0x80, s3, $0x10   }
0xfb: {  	s5 =	sld [smem:$0x1D];
	_ =	sdelay $0x3  }
0xfc: {  	s14 =	sshll.u32 s5, $0xA;
	s5 =	sshll.u32 s5, $0x7  }
0xfd: {  	s6 =	sand.u32 $0xFFFFE000, s14;
	s5 =	sand.u32 $0x380, s5  }
0xfe: {  	s5 =	sor.u32 s5, s6  }
0xff: {  	s5 =	sshrl.u32 s5, $0x3  }
0x100: {  	s15 =	sadd.s32 $0x450, s2;
	s5 =	sadd.s32 s1, s5  }
0x101: {  	[hbm:s15@s4], [sflag:s0] =	dma.strided [hbm:s5@s4], $0x80, s3, $0x10   }
0x102: {  	s5 =	sld [smem:$0x1E];
	_ =	sdelay $0x3  }
0x103: {  	s16 =	sshll.u32 s5, $0xA;
	s5 =	sshll.u32 s5, $0x7  }
0x104: {  	s6 =	sand.u32 $0xFFFFE000, s16;
	s5 =	sand.u32 $0x380, s5  }
0x105: {  	s5 =	sor.u32 s5, s6  }
0x106: {  	s5 =	sshrl.u32 s5, $0x3  }
0x107: {  	s17 =	sadd.s32 $0x460, s2;
	s5 =	sadd.s32 s1, s5  }
0x108: {  	[hbm:s17@s4], [sflag:s0] =	dma.strided [hbm:s5@s4], $0x80, s3, $0x10   }
0x109: {  	s5 =	sld [smem:$0x1F];
	_ =	sdelay $0x3  }
0x10a: {  	s18 =	sshll.u32 s5, $0xA;
	s5 =	sshll.u32 s5, $0x7  }
0x10b: {  	s6 =	sand.u32 $0xFFFFE000, s18;
	s5 =	sand.u32 $0x380, s5  }
0x10c: {  	s5 =	sor.u32 s5, s6  }
0x10d: {  	s5 =	sshrl.u32 s5, $0x3  }
0x10e: {  	s19 =	sadd.s32 $0x470, s2;
	s5 =	sadd.s32 s1, s5  }
0x10f: {  	[hbm:s19@s4], [sflag:s0] =	dma.strided [hbm:s5@s4], $0x80, s3, $0x10   }
0x110: {  	s5 =	sld [smem:$0x20];
	_ =	sdelay $0x3  }
0x111: {  	s20 =	sshll.u32 s5, $0xA;
	s5 =	sshll.u32 s5, $0x7  }
0x112: {  	s6 =	sand.u32 $0xFFFFE000, s20;
	s5 =	sand.u32 $0x380, s5  }
0x113: {  	s5 =	sor.u32 s5, s6  }
0x114: {  	s5 =	sshrl.u32 s5, $0x3  }
0x115: {  	s21 =	sadd.s32 $0x800, s2;
	s5 =	sadd.s32 s1, s5  }
0x116: {  	[hbm:s21@s4], [sflag:s0] =	dma.strided [hbm:s5@s4], $0x80, s3, $0x10   }
0x117: {  	s5 =	sld [smem:$0x21];
	_ =	sdelay $0x3  }
0x118: {  	s22 =	sshll.u32 s5, $0xA;
	s5 =	sshll.u32 s5, $0x7  }
0x119: {  	s6 =	sand.u32 $0xFFFFE000, s22;
	s5 =	sand.u32 $0x380, s5  }
0x11a: {  	s5 =	sor.u32 s5, s6  }
0x11b: {  	s5 =	sshrl.u32 s5, $0x3  }
0x11c: {  	s23 =	sadd.s32 $0x810, s2;
	s5 =	sadd.s32 s1, s5  }
0x11d: {  	[hbm:s23@s4], [sflag:s0] =	dma.strided [hbm:s5@s4], $0x80, s3, $0x10   }
0x11e: {  	s5 =	sld [smem:$0x22];
	_ =	sdelay $0x3  }
0x11f: {  	s24 =	sshll.u32 s5, $0xA;
	s5 =	sshll.u32 s5, $0x7  }
0x120: {  	s6 =	sand.u32 $0xFFFFE000, s24;
	s5 =	sand.u32 $0x380, s5  }
0x121: {  	s5 =	sor.u32 s5, s6  }
0x122: {  	s5 =	sshrl.u32 s5, $0x3  }
0x123: {  	s25 =	sadd.s32 $0x820, s2;
	s5 =	sadd.s32 s1, s5  }
0x124: {  	[hbm:s25@s4], [sflag:s0] =	dma.strided [hbm:s5@s4], $0x80, s3, $0x10   }
0x125: {  	s5 =	sld [smem:$0x23];
	_ =	sdelay $0x3  }
0x126: {  	s26 =	sshll.u32 s5, $0xA;
	s5 =	sshll.u32 s5, $0x7  }
0x127: {  	s6 =	sand.u32 $0xFFFFE000, s26;
	s5 =	sand.u32 $0x380, s5  }
0x128: {  	s5 =	sor.u32 s5, s6  }
0x129: {  	s5 =	sshrl.u32 s5, $0x3  }
0x12a: {  	s28 =	sadd.s32 $0x830, s2;
	s5 =	sadd.s32 s1, s5  }
0x12b: {  	[hbm:s28@s4], [sflag:s0] =	dma.strided [hbm:s5@s4], $0x80, s3, $0x10   }
0x12c: {  	s5 =	sld [smem:$0x24];
	_ =	sdelay $0x3  }
0x12d: {  	s29 =	sshll.u32 s5, $0xA;
	s5 =	sshll.u32 s5, $0x7  }
0x12e: {  	s6 =	sand.u32 $0xFFFFE000, s29;
	s5 =	sand.u32 $0x380, s5  }
0x12f: {  	s5 =	sor.u32 s5, s6  }
0x130: {  	s5 =	sshrl.u32 s5, $0x3  }
0x131: {  	s30 =	sadd.s32 $0x840, s2;
	s5 =	sadd.s32 s1, s5  }
0x132: {  	[hbm:s30@s4], [sflag:s0] =	dma.strided [hbm:s5@s4], $0x80, s3, $0x10   }
0x133: {  	s5 =	sld [smem:$0x25];
	_ =	sdelay $0x3  }
0x134: {  	s31 =	sshll.u32 s5, $0xA;
	s5 =	sshll.u32 s5, $0x7  }
0x135: {  	s6 =	sand.u32 $0xFFFFE000, s31;
	s5 =	sand.u32 $0x380, s5  }
0x136: {  	s5 =	sor.u32 s5, s6  }
0x137: {  	s5 =	sshrl.u32 s5, $0x3  }
0x138: {  	s7 =	sadd.s32 $0x850, s2;
	s5 =	sadd.s32 s1, s5  }
0x139: {  	[hbm:s7@s4], [sflag:s0] =	dma.strided [hbm:s5@s4], $0x80, s3, $0x10   }
0x13a: {  	s5 =	sld [smem:$0x26];
	_ =	sdelay $0x3  }
0x13b: {  	s8 =	sshll.u32 s5, $0xA;
	s5 =	sshll.u32 s5, $0x7  }
0x13c: {  	s6 =	sand.u32 $0xFFFFE000, s8;
	s5 =	sand.u32 $0x380, s5  }
0x13d: {  	s5 =	sor.u32 s5, s6  }
0x13e: {  	s5 =	sshrl.u32 s5, $0x3  }
0x13f: {  	s9 =	sadd.s32 $0x860, s2;
	s5 =	sadd.s32 s1, s5  }
0x140: {  	[hbm:s9@s4], [sflag:s0] =	dma.strided [hbm:s5@s4], $0x80, s3, $0x10   }
0x141: {  	s5 =	sld [smem:$0x27];
	_ =	sdelay $0x3  }
0x142: {  	s10 =	sshll.u32 s5, $0xA;
	s5 =	sshll.u32 s5, $0x7  }
0x143: {  	s6 =	sand.u32 $0xFFFFE000, s10;
	s5 =	sand.u32 $0x380, s5  }
0x144: {  	s5 =	sor.u32 s5, s6  }
0x145: {  	s5 =	sshrl.u32 s5, $0x3  }
0x146: {  	s11 =	sadd.s32 $0x870, s2;
	s5 =	sadd.s32 s1, s5  }
0x147: {  	[hbm:s11@s4], [sflag:s0] =	dma.strided [hbm:s5@s4], $0x80, s3, $0x10   }
0x148: {  	s5 =	sld [smem:$0x28];
	_ =	sdelay $0x3  }
0x149: {  	s12 =	sshll.u32 s5, $0xA;
	s5 =	sshll.u32 s5, $0x7  }
0x14a: {  	s6 =	sand.u32 $0xFFFFE000, s12;
	s5 =	sand.u32 $0x380, s5  }
0x14b: {  	s5 =	sor.u32 s5, s6  }
0x14c: {  	s5 =	sshrl.u32 s5, $0x3  }
0x14d: {  	s13 =	sadd.s32 $0xC00, s2;
	s5 =	sadd.s32 s1, s5  }
0x14e: {  	[hbm:s13@s4], [sflag:s0] =	dma.strided [hbm:s5@s4], $0x80, s3, $0x10   }
0x14f: {  	s5 =	sld [smem:$0x29];
	_ =	sdelay $0x3  }
0x150: {  	s14 =	sshll.u32 s5, $0xA;
	s5 =	sshll.u32 s5, $0x7  }
0x151: {  	s6 =	sand.u32 $0xFFFFE000, s14;
	s5 =	sand.u32 $0x380, s5  }
0x152: {  	s5 =	sor.u32 s5, s6  }
0x153: {  	s5 =	sshrl.u32 s5, $0x3  }
0x154: {  	s15 =	sadd.s32 $0xC10, s2;
	s5 =	sadd.s32 s1, s5  }
0x155: {  	[hbm:s15@s4], [sflag:s0] =	dma.strided [hbm:s5@s4], $0x80, s3, $0x10   }
0x156: {  	s5 =	sld [smem:$0x2A];
	_ =	sdelay $0x3  }
0x157: {  	s16 =	sshll.u32 s5, $0xA;
	s5 =	sshll.u32 s5, $0x7  }
0x158: {  	s6 =	sand.u32 $0xFFFFE000, s16;
	s5 =	sand.u32 $0x380, s5  }
0x159: {  	s5 =	sor.u32 s5, s6  }
0x15a: {  	s5 =	sshrl.u32 s5, $0x3  }
0x15b: {  	s17 =	sadd.s32 $0xC20, s2;
	s5 =	sadd.s32 s1, s5  }
0x15c: {  	[hbm:s17@s4], [sflag:s0] =	dma.strided [hbm:s5@s4], $0x80, s3, $0x10   }
0x15d: {  	s5 =	sld [smem:$0x2B];
	_ =	sdelay $0x3  }
0x15e: {  	s18 =	sshll.u32 s5, $0xA;
	s5 =	sshll.u32 s5, $0x7  }
0x15f: {  	s6 =	sand.u32 $0xFFFFE000, s18;
	s5 =	sand.u32 $0x380, s5  }
0x160: {  	s5 =	sor.u32 s5, s6  }
0x161: {  	s5 =	sshrl.u32 s5, $0x3  }
0x162: {  	s19 =	sadd.s32 $0xC30, s2;
	s5 =	sadd.s32 s1, s5  }
0x163: {  	[hbm:s19@s4], [sflag:s0] =	dma.strided [hbm:s5@s4], $0x80, s3, $0x10   }
0x164: {  	s5 =	sld [smem:$0x2C];
	_ =	sdelay $0x3  }
0x165: {  	s20 =	sshll.u32 s5, $0xA;
	s5 =	sshll.u32 s5, $0x7  }
0x166: {  	s6 =	sand.u32 $0xFFFFE000, s20;
	s5 =	sand.u32 $0x380, s5  }
0x167: {  	s5 =	sor.u32 s5, s6  }
0x168: {  	s5 =	sshrl.u32 s5, $0x3  }
0x169: {  	s21 =	sadd.s32 $0xC40, s2;
	s5 =	sadd.s32 s1, s5  }
0x16a: {  	[hbm:s21@s4], [sflag:s0] =	dma.strided [hbm:s5@s4], $0x80, s3, $0x10   }
0x16b: {  	s5 =	sld [smem:$0x2D];
	_ =	sdelay $0x3  }
0x16c: {  	s22 =	sshll.u32 s5, $0xA;
	s5 =	sshll.u32 s5, $0x7  }
0x16d: {  	s6 =	sand.u32 $0xFFFFE000, s22;
	s5 =	sand.u32 $0x380, s5  }
0x16e: {  	s5 =	sor.u32 s5, s6  }
0x16f: {  	s5 =	sshrl.u32 s5, $0x3  }
0x170: {  	s23 =	sadd.s32 $0xC50, s2;
	s5 =	sadd.s32 s1, s5  }
0x171: {  	[hbm:s23@s4], [sflag:s0] =	dma.strided [hbm:s5@s4], $0x80, s3, $0x10   }
0x172: {  	s5 =	sld [smem:$0x2E];
	_ =	sdelay $0x3  }
0x173: {  	s24 =	sshll.u32 s5, $0xA;
	s5 =	sshll.u32 s5, $0x7  }
0x174: {  	s6 =	sand.u32 $0xFFFFE000, s24;
	s5 =	sand.u32 $0x380, s5  }
0x175: {  	s5 =	sor.u32 s5, s6  }
0x176: {  	s5 =	sshrl.u32 s5, $0x3  }
0x177: {  	s25 =	sadd.s32 $0xC60, s2;
	s5 =	sadd.s32 s1, s5  }
0x178: {  	[hbm:s25@s4], [sflag:s0] =	dma.strided [hbm:s5@s4], $0x80, s3, $0x10   }
0x179: {  	s5 =	sld [smem:$0x2F];
	_ =	sdelay $0x3  }
0x17a: {  	s26 =	sshll.u32 s5, $0xA;
	s5 =	sshll.u32 s5, $0x7  }
0x17b: {  	s6 =	sand.u32 $0xFFFFE000, s26;
	s5 =	sand.u32 $0x380, s5  }
0x17c: {  	s5 =	sor.u32 s5, s6  }
0x17d: {  	s5 =	sshrl.u32 s5, $0x3  }
0x17e: {  	s2 =	sadd.s32 $0xC70, s2;
	s1 =	sadd.s32 s1, s5  }
0x17f: {  	[hbm:s2@s4], [sflag:s0] =	dma.strided [hbm:s1@s4], $0x80, s3, $0x10   }
0x180: {  	_ =	swait.ge [sflag:s0], $0x80  }
0x181: {  	[sflag:s0] =	ssyncset.done $0x0  }
0x182: {  	[sflag:s0] =	ssyncadd.s32 $0xFFFFFF80;
	_ =	sdelay $0x2  }
0x183: {  	_ =	swait.ge [sflag:s0], $0x80  }
0x184: {  	[sflag:s0] =	ssyncset.done $0x0  }
0x185: {  	[sflag:s0] =	ssyncadd.s32 $0xFFFFFF80;
	_ =	sdelay $0x2  }
0x186: {  	_ =	swait.ge [sflag:s0], $0x80  }
0x187: {  	[sflag:s0] =	ssyncset.done $0x0  }
0x188: {  	[sflag:s0] =	ssyncadd.s32 $0xFFFFFF80;
	_ =	sdelay $0x2  }
0x189: {  	_ =	swait.ge [sflag:s0], $0x80  }
0x18a: {  	[sflag:s0] =	ssyncset.done $0x0  }
0x18b: {  	[sflag:s0] =	ssyncadd.s32 $0xFFFFFF80;
	_ =	sdelay $0x2  }
0x18c: {  	_ =	swait.ge [sflag:s0], $0x80  }
0x18d: {  	[sflag:s0] =	ssyncset.done $0x0  }
0x18e: {  	[sflag:s0] =	ssyncadd.s32 $0xFFFFFF80;
	_ =	sdelay $0x2  }
0x18f: {  	_ =	swait.ge [sflag:s0], $0x80  }
0x190: {  	[sflag:s0] =	ssyncset.done $0x0  }
0x191: {  	[sflag:s0] =	ssyncadd.s32 $0xFFFFFF80;
	_ =	sdelay $0x2  }
0x192: {  	_ =	swait.ge [sflag:s0], $0x80  }
0x193: {  	[sflag:s0] =	ssyncset.done $0x0  }
0x194: {  	[sflag:s0] =	ssyncadd.s32 $0xFFFFFF80;
	_ =	sdelay $0x2  }
0x195: {  	_ =	swait.ge [sflag:s0], $0x80  }
0x196: {  	[sflag:s0] =	ssyncset.done $0x0  }
0x197: {  	[sflag:s0] =	ssyncadd.s32 $0xFFFFFF80;
	_ =	sdelay $0x2  }
0x198: {  	_ =	swait.ge [sflag:s0], $0x80  }
0x199: {  	[sflag:s0] =	ssyncset.done $0x0  }
0x19a: {  	[sflag:s0] =	ssyncadd.s32 $0xFFFFFF80;
	_ =	sdelay $0x2  }
0x19b: {  	_ =	swait.ge [sflag:s0], $0x80  }
0x19c: {  	[sflag:s0] =	ssyncset.done $0x0  }
0x19d: {  	[sflag:s0] =	ssyncadd.s32 $0xFFFFFF80;
	_ =	sdelay $0x2  }
0x19e: {  	_ =	swait.ge [sflag:s0], $0x80  }
0x19f: {  	[sflag:s0] =	ssyncset.done $0x0  }
0x1a0: {  	[sflag:s0] =	ssyncadd.s32 $0xFFFFFF80;
	_ =	sdelay $0x2  }
0x1a1: {  	_ =	swait.ge [sflag:s0], $0x80  }
0x1a2: {  	[sflag:s0] =	ssyncset.done $0x0  }
0x1a3: {  	[sflag:s0] =	ssyncadd.s32 $0xFFFFFF80;
	_ =	sdelay $0x2  }
0x1a4: {  	_ =	swait.ge [sflag:s0], $0x80  }
0x1a5: {  	[sflag:s0] =	ssyncset.done $0x0  }
0x1a6: {  	[sflag:s0] =	ssyncadd.s32 $0xFFFFFF80;
	_ =	sdelay $0x2  }
0x1a7: {  	_ =	swait.ge [sflag:s0], $0x80  }
0x1a8: {  	[sflag:s0] =	ssyncset.done $0x0  }
0x1a9: {  	[sflag:s0] =	ssyncadd.s32 $0xFFFFFF80;
	_ =	sdelay $0x2  }
0x1aa: {  	_ =	swait.ge [sflag:s0], $0x80  }
0x1ab: {  	[sflag:s0] =	ssyncset.done $0x0  }
0x1ac: {  	[sflag:s0] =	ssyncadd.s32 $0xFFFFFF80;
	_ =	sdelay $0x2  }
0x1ad: {  	_ =	swait.ge [sflag:s0], $0x80  }
0x1ae: {  	[sflag:s0] =	ssyncset.done $0x0  }
0x1af: {  	[sflag:s0] =	ssyncadd.s32 $0xFFFFFF80;
	_ =	sdelay $0x2  }
0x1b0: {  	_ =	swait.ge [sflag:s0], $0x80  }
0x1b1: {  	[sflag:s0] =	ssyncset.done $0x0  }
0x1b2: {  	[sflag:s0] =	ssyncadd.s32 $0xFFFFFF80;
	_ =	sdelay $0x2  }
0x1b3: {  	_ =	swait.ge [sflag:s0], $0x80  }
0x1b4: {  	[sflag:s0] =	ssyncset.done $0x0  }
0x1b5: {  	[sflag:s0] =	ssyncadd.s32 $0xFFFFFF80;
	_ =	sdelay $0x2  }
0x1b6: {  	_ =	swait.ge [sflag:s0], $0x80  }
0x1b7: {  	[sflag:s0] =	ssyncset.done $0x0  }
0x1b8: {  	[sflag:s0] =	ssyncadd.s32 $0xFFFFFF80;
	_ =	sdelay $0x2  }
0x1b9: {  	_ =	swait.ge [sflag:s0], $0x80  }
0x1ba: {  	[sflag:s0] =	ssyncset.done $0x0  }
0x1bb: {  	[sflag:s0] =	ssyncadd.s32 $0xFFFFFF80;
	_ =	sdelay $0x2  }
0x1bc: {  	_ =	swait.ge [sflag:s0], $0x80  }
0x1bd: {  	[sflag:s0] =	ssyncset.done $0x0  }
0x1be: {  	[sflag:s0] =	ssyncadd.s32 $0xFFFFFF80;
	_ =	sdelay $0x2  }
0x1bf: {  	_ =	swait.ge [sflag:s0], $0x80  }
0x1c0: {  	[sflag:s0] =	ssyncset.done $0x0  }
0x1c1: {  	[sflag:s0] =	ssyncadd.s32 $0xFFFFFF80;
	_ =	sdelay $0x2  }
0x1c2: {  	_ =	swait.ge [sflag:s0], $0x80  }
0x1c3: {  	[sflag:s0] =	ssyncset.done $0x0  }
0x1c4: {  	[sflag:s0] =	ssyncadd.s32 $0xFFFFFF80;
	_ =	sdelay $0x2  }
0x1c5: {  	_ =	swait.ge [sflag:s0], $0x80  }
0x1c6: {  	[sflag:s0] =	ssyncset.done $0x0  }
0x1c7: {  	[sflag:s0] =	ssyncadd.s32 $0xFFFFFF80;
	_ =	sdelay $0x2  }
0x1c8: {  	_ =	swait.ge [sflag:s0], $0x80  }
0x1c9: {  	[sflag:s0] =	ssyncset.done $0x0  }
0x1ca: {  	[sflag:s0] =	ssyncadd.s32 $0xFFFFFF80;
	_ =	sdelay $0x2  }
0x1cb: {  	_ =	swait.ge [sflag:s0], $0x80  }
0x1cc: {  	[sflag:s0] =	ssyncset.done $0x0  }
0x1cd: {  	[sflag:s0] =	ssyncadd.s32 $0xFFFFFF80;
	_ =	sdelay $0x2  }
0x1ce: {  	_ =	swait.ge [sflag:s0], $0x80  }
0x1cf: {  	[sflag:s0] =	ssyncset.done $0x0  }
0x1d0: {  	[sflag:s0] =	ssyncadd.s32 $0xFFFFFF80;
	_ =	sdelay $0x2  }
0x1d1: {  	_ =	swait.ge [sflag:s0], $0x80  }
0x1d2: {  	[sflag:s0] =	ssyncset.done $0x0  }
0x1d3: {  	[sflag:s0] =	ssyncadd.s32 $0xFFFFFF80;
	_ =	sdelay $0x2  }
0x1d4: {  	_ =	swait.ge [sflag:s0], $0x80  }
0x1d5: {  	[sflag:s0] =	ssyncset.done $0x0  }
0x1d6: {  	[sflag:s0] =	ssyncadd.s32 $0xFFFFFF80;
	_ =	sdelay $0x2  }
0x1d7: {  	_ =	swait.ge [sflag:s0], $0x80  }
0x1d8: {  	[sflag:s0] =	ssyncset.done $0x0  }
0x1d9: {  	[sflag:s0] =	ssyncadd.s32 $0xFFFFFF80;
	_ =	sdelay $0x2  }
0x1da: {  	_ =	swait.ge [sflag:s0], $0x80  }
0x1db: {  	[sflag:s0] =	ssyncset.done $0x0  }
0x1dc: {  	[sflag:s0] =	ssyncadd.s32 $0xFFFFFF80;
	_ =	sdelay $0x2  }
0x1dd: {  	_ =	swait.ge [sflag:s0], $0x80  }
0x1de: {  	[sflag:s0] =	ssyncset.done $0x0  }
0x1df: {  	[sflag:s0] =	ssyncadd.s32 $0xFFFFFF80  }
0x1e0: {  	_ =	strace $0x90000046  }
0x1e1: {  	_ =	sfence  }
0x1e2: {  	s28 =	sld [smem:$0x0];
	_ =	sdelay $0x1  }
0x1e3: {  	s29 =	srdreg.scid  }
0x1e4: {  	s30 =	sshll.u32 s29, $0xD;
	s31 =	sshrl.u32 s29, $0x2  }
0x1e5: {  	s1 =	sand.u32 $0x1, s29;
	s2 =	sand.u32 $0x4000, s30;
	s0 =	sadd.s32 s31, s28  }
0x1e6: {  	s1 =	sor.u32 s2, s1;
	s0 =	sshll.u32 s0, $0x11  }
0x1e7: {  	s0 =	sor.u32 s0, s1  }
0x1e8: {  	s0 =	sadd.s32 $0x8F2B, s0;
	(pc) =	sbr.abs _section_cstart, $3  }
0x1e9: {  	[sflag:s0] =	ssyncadd.remote.s32 $0x1  }
0x1ea: {  	_ =	strace $0x9FFFFFFF  }
0x1eb: {  	(tm) =	ssettm $0x7FFFFFFF  }

</sc_bundles>
